<compile_context>
chip_gen: v7x
topology: tpu7x:2x2x1
jax: 0.10.2.dev20260603
libtpu: 0.0.44.dev20260713+nightly
codegen_flags: <defaults>
</compile_context>

<pallas_src>
import jax
import jax.numpy as jnp
from jax import lax
from jax.experimental import pallas as pl
from jax.experimental.pallas import tpu as pltpu
from jax.experimental.pallas import tpu_sc as plsc

VOCAB = 100000
D = 128
B_TOTAL = 4096 * 200
SCALE = float(D) ** 0.5

NC, NS, L = 2, 16, 16
NW = NC * NS
ROWS_PER_W = B_TOTAL // NW
IROW = 128
CHUNK = 256
GPC = CHUNK // IROW
N_IDX_ROWS = ROWS_PER_W // IROW
N_CHUNKS = ROWS_PER_W // CHUNK


def _body(idx_hbm, table_hbm, out_hbm, idx_v, buf0, buf1, sem0, sem1):
    cid = lax.axis_index("c")
    sid = lax.axis_index("s")
    wid = sid * NC + cid

    pltpu.sync_copy(idx_hbm.at[pl.ds(wid * N_IDX_ROWS, N_IDX_ROWS)], idx_v)

    out_base = pl.multiple_of(wid * ROWS_PER_W, CHUNK)

    def start_gather(c, buf, sem):
        for j in range(GPC):
            pltpu.async_copy(table_hbm.at[idx_v.at[c * GPC + j]],
                             buf.at[pl.ds(j * IROW, IROW)], sem)

    def wait_gather(buf, sem):
        pltpu.make_async_copy(table_hbm.at[pl.ds(0, CHUNK)], buf, sem).wait()

    def scale_rows(buf):
        def row(r, _):
            for l in range(D // L):
                sl = pl.ds(l * L, L)
                buf[r, sl] = buf[r, sl] * SCALE
            return 0
        lax.fori_loop(0, CHUNK, row, 0, unroll=4)

    def flush(c, buf):
        scale_rows(buf)
        pltpu.sync_copy(buf, out_hbm.at[pl.ds(out_base + c * CHUNK, CHUNK)])

    start_gather(0, buf0, sem0)

    def step(g, _):
        c0 = g * 2
        start_gather(c0 + 1, buf1, sem1)
        wait_gather(buf0, sem0)
        flush(c0, buf0)

        @pl.when(c0 + 2 < N_CHUNKS)
        def _():
            start_gather(c0 + 2, buf0, sem0)

        wait_gather(buf1, sem1)
        flush(c0 + 1, buf1)
        return 0

    lax.fori_loop(0, N_CHUNKS // 2, step, 0)


@jax.jit
def _embed(idx2d, embeddings):
    mesh = plsc.VectorSubcoreMesh(core_axis_name="c", subcore_axis_name="s")
    run = pl.kernel(
        _body,
        out_type=jax.ShapeDtypeStruct((B_TOTAL, D), jnp.float32),
        mesh=mesh,
        scratch_types=[
            pltpu.VMEM((N_IDX_ROWS, IROW), jnp.int32),
            pltpu.VMEM((CHUNK, D), jnp.float32),
            pltpu.VMEM((CHUNK, D), jnp.float32),
            pltpu.SemaphoreType.DMA,
            pltpu.SemaphoreType.DMA,
        ],
    )
    return run(idx2d, embeddings)


def kernel(inputs, embeddings):
    idx2d = inputs.astype(jnp.int32).reshape(B_TOTAL // IROW, IROW)
    out = _embed(idx2d, embeddings)
    return out.reshape(inputs.shape[0], inputs.shape[1], D)

# --- scband reference (transcript-rebuilt; emitter-appended) ---
"""Pipeline reference for scband-embedding-30640296690424 (READ-ONLY COPY).

The authoritative reference and input builder live on the scoring server;
editing this copy changes nothing except your own understanding.
"""

import jax, jax.numpy as jnp
import numpy as np

VOCAB_SIZE = 100000
MODEL_DIM = 128

def setup_inputs(seed: int = 0) -> dict:
    key = jax.random.key(seed)
    k_idx, k_emb = jax.random.split(key)
    inputs = jax.random.randint(k_idx, (4096, 200), 0, VOCAB_SIZE, dtype=jnp.int32)
    # glorot_uniform init for the embedding table
    limit = np.sqrt(6.0 / (VOCAB_SIZE + MODEL_DIM))
    embeddings = jax.random.uniform(k_emb, (VOCAB_SIZE, MODEL_DIM), dtype=jnp.float32, minval=-limit, maxval=limit)
    return {"inputs": inputs, "embeddings": embeddings}

def reference(inputs, embeddings):
    idx = inputs.astype(jnp.int32)
    out = jnp.take(embeddings, idx, axis=0)
    out = out * (MODEL_DIM ** 0.5)
    return out

if __name__ == "__main__":
    import jax
    _d = setup_inputs()
    print(jax.jit(kernel)(*tuple(_d.values())))

</pallas_src>

<mosaic_0001>
#map = affine_map<(d0, d1) -> (0, 0)>
module attributes {stable_mosaic.version = 14 : i64} {
  func.func @_body(%arg0: i32, %arg1: i32, %arg2: memref<6400x128xi32, #tpu.memory_space<hbm>>, %arg3: memref<100000x128xf32, #tpu.memory_space<hbm>>, %arg4: memref<819200x128xf32, #tpu.memory_space<hbm>>, %arg5: memref<200x128xi32, #tpu.memory_space<vmem>>, %arg6: memref<256x128xf32, #tpu.memory_space<vmem>>, %arg7: memref<256x128xf32, #tpu.memory_space<vmem>>, %arg8: memref<!tpu.dma_semaphore, #tpu.memory_space<semaphore_mem>>, %arg9: memref<!tpu.dma_semaphore, #tpu.memory_space<semaphore_mem>>) attributes {dimension_semantics = [#tpu.dimension_semantics<core_parallel>, #tpu.dimension_semantics<subcore_parallel>], iteration_bounds = array<i64: 2, 16>, scalar_prefetch = 0 : i64, scratch_operands = 5 : i64, tpu.core_type = #tpu.core_type<sc_vector_subcore>, window_params = [{transform_indices = #map}, {transform_indices = #map}, {transform_indices = #map}]} {
    %mul3A = arith.constant 2 : i32
    %mul3A_0 = arith.muli %arg1, %mul3A : i32
    %add3A = arith.addi %mul3A_0, %arg0 : i32
    %mul3A_1 = arith.constant 200 : i32
    %mul3A_2 = arith.muli %add3A, %mul3A_1 : i32
    "tpu.region"() ({
      %run_scoped3A = tpu.sem_alloc : memref<!tpu.dma_semaphore, #tpu.memory_space<semaphore_mem>>
      %dma_start3A_30 = arith.constant 0 : i32
      %dma_start3A_31 = tpu.memref_slice %arg2[%mul3A_2, %dma_start3A_30] : memref<6400x128xi32, #tpu.memory_space<hbm>> -> memref<200x128xi32, #tpu.memory_space<hbm>>
      %dma_start3A_32 = arith.constant 0 : i32
      %dma_start3A_33 = tpu.memref_slice %arg2[%mul3A_2, %dma_start3A_32] : memref<6400x128xi32, #tpu.memory_space<hbm>> -> memref<200x128xi32, #tpu.memory_space<hbm>>
      tpu.enqueue_dma source(%dma_start3A_33 : memref<200x128xi32, #tpu.memory_space<hbm>>) target(%arg5 : memref<200x128xi32, #tpu.memory_space<vmem>>) target_semaphore(%run_scoped3A : memref<!tpu.dma_semaphore, #tpu.memory_space<semaphore_mem>>)
      %dma_wait3A = arith.constant 0 : i32
      %dma_wait3A_34 = tpu.memref_slice %arg2[%mul3A_2, %dma_wait3A] : memref<6400x128xi32, #tpu.memory_space<hbm>> -> memref<200x128xi32, #tpu.memory_space<hbm>>
      %dma_wait3A_35 = arith.constant 0 : i32
      %dma_wait3A_36 = tpu.memref_slice %arg2[%mul3A_2, %dma_wait3A_35] : memref<6400x128xi32, #tpu.memory_space<hbm>> -> memref<200x128xi32, #tpu.memory_space<hbm>>
      tpu.wait_dma2 semaphore(%run_scoped3A : memref<!tpu.dma_semaphore, #tpu.memory_space<semaphore_mem>>) src(%dma_wait3A_36 : memref<200x128xi32, #tpu.memory_space<hbm>>) dst(%arg5 : memref<200x128xi32, #tpu.memory_space<vmem>>)
      tpu.yield
    }) : () -> ()
    %mul3A_3 = arith.constant 25600 : i32
    %mul3A_4 = arith.muli %add3A, %mul3A_3 : i32
    %multiple_of3A = tpu.assume_multiple %mul3A_4, 256 : i32
    %dma_start3A = arith.constant 0 : i32
    %dma_start3A_5 = arith.constant 0 : i32
    %dma_start3A_6 = arith.constant 0 : i32
    %dma_start3A_7 = tpu.memref_slice %arg6[%dma_start3A_5, %dma_start3A_6] : memref<256x128xf32, #tpu.memory_space<vmem>> -> memref<128x128xf32, #tpu.memory_space<vmem>>
    %dma_start3A_8 = arith.constant 0 : i32
    %dma_start3A_9 = tpu.memref_slice %arg5[%dma_start3A, %dma_start3A_8] : memref<200x128xi32, #tpu.memory_space<vmem>> -> memref<1x128xi32, #tpu.memory_space<vmem>>
    %dma_start3A_10 = tpu.memref_squeeze %dma_start3A_9 : memref<1x128xi32, #tpu.memory_space<vmem>> -> memref<128xi32, #tpu.memory_space<vmem>>
    %dma_start3A_11 = arith.constant 0 : i32
    %dma_start3A_12 = arith.constant 0 : i32
    %dma_start3A_13 = tpu.memref_slice %arg3[%dma_start3A_11, %dma_start3A_12] : memref<100000x128xf32, #tpu.memory_space<hbm>> -> memref<100000x128xf32, #tpu.memory_space<hbm>>
    tpu.enqueue_indirect_dma source(%dma_start3A_13 : memref<100000x128xf32, #tpu.memory_space<hbm>>) target(%dma_start3A_7 : memref<128x128xf32, #tpu.memory_space<vmem>>) offsets(%dma_start3A_10 : memref<128xi32, #tpu.memory_space<vmem>>) semaphore(%arg8 : memref<!tpu.dma_semaphore, #tpu.memory_space<semaphore_mem>>)
    %dma_start3A_14 = arith.constant 1 : i32
    %dma_start3A_15 = arith.constant 128 : i32
    %dma_start3A_16 = arith.constant 0 : i32
    %dma_start3A_17 = tpu.memref_slice %arg6[%dma_start3A_15, %dma_start3A_16] : memref<256x128xf32, #tpu.memory_space<vmem>> -> memref<128x128xf32, #tpu.memory_space<vmem>>
    %dma_start3A_18 = arith.constant 0 : i32
    %dma_start3A_19 = tpu.memref_slice %arg5[%dma_start3A_14, %dma_start3A_18] : memref<200x128xi32, #tpu.memory_space<vmem>> -> memref<1x128xi32, #tpu.memory_space<vmem>>
    %dma_start3A_20 = tpu.memref_squeeze %dma_start3A_19 : memref<1x128xi32, #tpu.memory_space<vmem>> -> memref<128xi32, #tpu.memory_space<vmem>>
    %dma_start3A_21 = arith.constant 0 : i32
    %dma_start3A_22 = arith.constant 0 : i32
    %dma_start3A_23 = tpu.memref_slice %arg3[%dma_start3A_21, %dma_start3A_22] : memref<100000x128xf32, #tpu.memory_space<hbm>> -> memref<100000x128xf32, #tpu.memory_space<hbm>>
    tpu.enqueue_indirect_dma source(%dma_start3A_23 : memref<100000x128xf32, #tpu.memory_space<hbm>>) target(%dma_start3A_17 : memref<128x128xf32, #tpu.memory_space<vmem>>) offsets(%dma_start3A_20 : memref<128xi32, #tpu.memory_space<vmem>>) semaphore(%arg8 : memref<!tpu.dma_semaphore, #tpu.memory_space<semaphore_mem>>)
    %scan3A = arith.constant 0 : i32
    %scan3A_24 = arith.constant 0 : i32
    %scan3A_25 = arith.constant 50 : i32
    %scan3A_26 = arith.addi %scan3A_24, %scan3A_25 : i32
    %scan3A_27 = arith.constant 1 : i32
    %scan3A_28 = scf.for %scan3A_30 = %scan3A_24 to %scan3A_26 step %scan3A_27 iter_args(%scan3A_31 = %scan3A) -> (i32)  : i32 {
      %mul3A_32 = arith.constant 2 : i32
      %mul3A_33 = arith.muli %scan3A_30, %mul3A_32 : i32
      %add3A_34 = arith.constant 1 : i32
      %add3A_35 = arith.addi %mul3A_33, %add3A_34 : i32
      %mul3A_36 = arith.constant 2 : i32
      %mul3A_37 = arith.muli %add3A_35, %mul3A_36 : i32
      %add3A_38 = arith.constant 0 : i32
      %add3A_39 = arith.addi %mul3A_37, %add3A_38 : i32
      %dma_start3A_40 = arith.constant 0 : i32
      %dma_start3A_41 = arith.constant 0 : i32
      %dma_start3A_42 = tpu.memref_slice %arg7[%dma_start3A_40, %dma_start3A_41] : memref<256x128xf32, #tpu.memory_space<vmem>> -> memref<128x128xf32, #tpu.memory_space<vmem>>
      %dma_start3A_43 = arith.constant 0 : i32
      %dma_start3A_44 = tpu.memref_slice %arg5[%add3A_39, %dma_start3A_43] : memref<200x128xi32, #tpu.memory_space<vmem>> -> memref<1x128xi32, #tpu.memory_space<vmem>>
      %dma_start3A_45 = tpu.memref_squeeze %dma_start3A_44 : memref<1x128xi32, #tpu.memory_space<vmem>> -> memref<128xi32, #tpu.memory_space<vmem>>
      %dma_start3A_46 = arith.constant 0 : i32
      %dma_start3A_47 = arith.constant 0 : i32
      %dma_start3A_48 = tpu.memref_slice %arg3[%dma_start3A_46, %dma_start3A_47] : memref<100000x128xf32, #tpu.memory_space<hbm>> -> memref<100000x128xf32, #tpu.memory_space<hbm>>
      tpu.enqueue_indirect_dma source(%dma_start3A_48 : memref<100000x128xf32, #tpu.memory_space<hbm>>) target(%dma_start3A_42 : memref<128x128xf32, #tpu.memory_space<vmem>>) offsets(%dma_start3A_45 : memref<128xi32, #tpu.memory_space<vmem>>) semaphore(%arg9 : memref<!tpu.dma_semaphore, #tpu.memory_space<semaphore_mem>>)
      %mul3A_49 = arith.constant 2 : i32
      %mul3A_50 = arith.muli %add3A_35, %mul3A_49 : i32
      %add3A_51 = arith.constant 1 : i32
      %add3A_52 = arith.addi %mul3A_50, %add3A_51 : i32
      %dma_start3A_53 = arith.constant 128 : i32
      %dma_start3A_54 = arith.constant 0 : i32
      %dma_start3A_55 = tpu.memref_slice %arg7[%dma_start3A_53, %dma_start3A_54] : memref<256x128xf32, #tpu.memory_space<vmem>> -> memref<128x128xf32, #tpu.memory_space<vmem>>
      %dma_start3A_56 = arith.constant 0 : i32
      %dma_start3A_57 = tpu.memref_slice %arg5[%add3A_52, %dma_start3A_56] : memref<200x128xi32, #tpu.memory_space<vmem>> -> memref<1x128xi32, #tpu.memory_space<vmem>>
      %dma_start3A_58 = tpu.memref_squeeze %dma_start3A_57 : memref<1x128xi32, #tpu.memory_space<vmem>> -> memref<128xi32, #tpu.memory_space<vmem>>
      %dma_start3A_59 = arith.constant 0 : i32
      %dma_start3A_60 = arith.constant 0 : i32
      %dma_start3A_61 = tpu.memref_slice %arg3[%dma_start3A_59, %dma_start3A_60] : memref<100000x128xf32, #tpu.memory_space<hbm>> -> memref<100000x128xf32, #tpu.memory_space<hbm>>
      tpu.enqueue_indirect_dma source(%dma_start3A_61 : memref<100000x128xf32, #tpu.memory_space<hbm>>) target(%dma_start3A_55 : memref<128x128xf32, #tpu.memory_space<vmem>>) offsets(%dma_start3A_58 : memref<128xi32, #tpu.memory_space<vmem>>) semaphore(%arg9 : memref<!tpu.dma_semaphore, #tpu.memory_space<semaphore_mem>>)
      %dma_wait3A = arith.constant 0 : i32
      %dma_wait3A_62 = arith.constant 0 : i32
      %dma_wait3A_63 = tpu.memref_slice %arg3[%dma_wait3A, %dma_wait3A_62] : memref<100000x128xf32, #tpu.memory_space<hbm>> -> memref<256x128xf32, #tpu.memory_space<hbm>>
      %dma_wait3A_64 = arith.constant 0 : i32
      %dma_wait3A_65 = arith.constant 0 : i32
      %dma_wait3A_66 = tpu.memref_slice %arg3[%dma_wait3A_64, %dma_wait3A_65] : memref<100000x128xf32, #tpu.memory_space<hbm>> -> memref<256x128xf32, #tpu.memory_space<hbm>>
      tpu.wait_dma2 semaphore(%arg8 : memref<!tpu.dma_semaphore, #tpu.memory_space<semaphore_mem>>) src(%dma_wait3A_66 : memref<256x128xf32, #tpu.memory_space<hbm>>) dst(%arg6 : memref<256x128xf32, #tpu.memory_space<vmem>>)
      %scan3A_67 = arith.constant 0 : i32
      %scan3A_68 = arith.constant 0 : i32
      %scan3A_69 = arith.constant 256 : i32
      %scan3A_70 = arith.addi %scan3A_68, %scan3A_69 : i32
      %scan3A_71 = arith.constant 4 : i32
      %scan3A_72 = scf.for %scan3A_100 = %scan3A_68 to %scan3A_70 step %scan3A_71 iter_args(%scan3A_101 = %scan3A_67) -> (i32)  : i32 {
        %get3A = arith.index_cast %scan3A_100 : i32 to index
        %get3A_102 = arith.constant 0 : index
        %get3A_103 = tpu.vector_load %arg6[%get3A, %get3A_102] {strides = array<i32>} : memref<256x128xf32, #tpu.memory_space<vmem>>, vector<1x16xf32>,
        %get3A_104 = vector.shape_cast %get3A_103 : vector<1x16xf32> to vector<16xf32>
        %mul3A_105 = arith.constant 11.3137083 : f32
        %mul3A_106 = vector.broadcast %mul3A_105 : f32 to vector<16xf32>
        %mul3A_107 = arith.mulf %get3A_104, %mul3A_106 : vector<16xf32>
        %swap3A = arith.index_cast %scan3A_100 : i32 to index
        %swap3A_108 = arith.constant 0 : index
        %swap3A_109 = tpu.vector_load %arg6[%swap3A, %swap3A_108] {strides = array<i32>} : memref<256x128xf32, #tpu.memory_space<vmem>>, vector<1x16xf32>,
        %swap3A_110 = vector.shape_cast %swap3A_109 : vector<1x16xf32> to vector<16xf32>
        %swap3A_111 = vector.shape_cast %mul3A_107 : vector<16xf32> to vector<1x16xf32>
        tpu.vector_store %arg6[%swap3A, %swap3A_108], %swap3A_111 {strides = array<i32>} : memref<256x128xf32, #tpu.memory_space<vmem>>, vector<1x16xf32>,
        %get3A_112 = arith.index_cast %scan3A_100 : i32 to index
        %get3A_113 = arith.constant 16 : index
        %get3A_114 = tpu.vector_load %arg6[%get3A_112, %get3A_113] {strides = array<i32>} : memref<256x128xf32, #tpu.memory_space<vmem>>, vector<1x16xf32>,
        %get3A_115 = vector.shape_cast %get3A_114 : vector<1x16xf32> to vector<16xf32>
        %mul3A_116 = arith.constant 11.3137083 : f32
        %mul3A_117 = vector.broadcast %mul3A_116 : f32 to vector<16xf32>
        %mul3A_118 = arith.mulf %get3A_115, %mul3A_117 : vector<16xf32>
        %swap3A_119 = arith.index_cast %scan3A_100 : i32 to index
        %swap3A_120 = arith.constant 16 : index
        %swap3A_121 = tpu.vector_load %arg6[%swap3A_119, %swap3A_120] {strides = array<i32>} : memref<256x128xf32, #tpu.memory_space<vmem>>, vector<1x16xf32>,
        %swap3A_122 = vector.shape_cast %swap3A_121 : vector<1x16xf32> to vector<16xf32>
        %swap3A_123 = vector.shape_cast %mul3A_118 : vector<16xf32> to vector<1x16xf32>
        tpu.vector_store %arg6[%swap3A_119, %swap3A_120], %swap3A_123 {strides = array<i32>} : memref<256x128xf32, #tpu.memory_space<vmem>>, vector<1x16xf32>,
        %get3A_124 = arith.index_cast %scan3A_100 : i32 to index
        %get3A_125 = arith.constant 32 : index
        %get3A_126 = tpu.vector_load %arg6[%get3A_124, %get3A_125] {strides = array<i32>} : memref<256x128xf32, #tpu.memory_space<vmem>>, vector<1x16xf32>,
        %get3A_127 = vector.shape_cast %get3A_126 : vector<1x16xf32> to vector<16xf32>
        %mul3A_128 = arith.constant 11.3137083 : f32
        %mul3A_129 = vector.broadcast %mul3A_128 : f32 to vector<16xf32>
        %mul3A_130 = arith.mulf %get3A_127, %mul3A_129 : vector<16xf32>
        %swap3A_131 = arith.index_cast %scan3A_100 : i32 to index
        %swap3A_132 = arith.constant 32 : index
        %swap3A_133 = tpu.vector_load %arg6[%swap3A_131, %swap3A_132] {strides = array<i32>} : memref<256x128xf32, #tpu.memory_space<vmem>>, vector<1x16xf32>,
        %swap3A_134 = vector.shape_cast %swap3A_133 : vector<1x16xf32> to vector<16xf32>
        %swap3A_135 = vector.shape_cast %mul3A_130 : vector<16xf32> to vector<1x16xf32>
        tpu.vector_store %arg6[%swap3A_131, %swap3A_132], %swap3A_135 {strides = array<i32>} : memref<256x128xf32, #tpu.memory_space<vmem>>, vector<1x16xf32>,
        %get3A_136 = arith.index_cast %scan3A_100 : i32 to index
        %get3A_137 = arith.constant 48 : index
        %get3A_138 = tpu.vector_load %arg6[%get3A_136, %get3A_137] {strides = array<i32>} : memref<256x128xf32, #tpu.memory_space<vmem>>, vector<1x16xf32>,
        %get3A_139 = vector.shape_cast %get3A_138 : vector<1x16xf32> to vector<16xf32>
        %mul3A_140 = arith.constant 11.3137083 : f32
        %mul3A_141 = vector.broadcast %mul3A_140 : f32 to vector<16xf32>
        %mul3A_142 = arith.mulf %get3A_139, %mul3A_141 : vector<16xf32>
        %swap3A_143 = arith.index_cast %scan3A_100 : i32 to index
        %swap3A_144 = arith.constant 48 : index
        %swap3A_145 = tpu.vector_load %arg6[%swap3A_143, %swap3A_144] {strides = array<i32>} : memref<256x128xf32, #tpu.memory_space<vmem>>, vector<1x16xf32>,
        %swap3A_146 = vector.shape_cast %swap3A_145 : vector<1x16xf32> to vector<16xf32>
        %swap3A_147 = vector.shape_cast %mul3A_142 : vector<16xf32> to vector<1x16xf32>
        tpu.vector_store %arg6[%swap3A_143, %swap3A_144], %swap3A_147 {strides = array<i32>} : memref<256x128xf32, #tpu.memory_space<vmem>>, vector<1x16xf32>,
        %get3A_148 = arith.index_cast %scan3A_100 : i32 to index
        %get3A_149 = arith.constant 64 : index
        %get3A_150 = tpu.vector_load %arg6[%get3A_148, %get3A_149] {strides = array<i32>} : memref<256x128xf32, #tpu.memory_space<vmem>>, vector<1x16xf32>,
        %get3A_151 = vector.shape_cast %get3A_150 : vector<1x16xf32> to vector<16xf32>
        %mul3A_152 = arith.constant 11.3137083 : f32
        %mul3A_153 = vector.broadcast %mul3A_152 : f32 to vector<16xf32>
        %mul3A_154 = arith.mulf %get3A_151, %mul3A_153 : vector<16xf32>
        %swap3A_155 = arith.index_cast %scan3A_100 : i32 to index
        %swap3A_156 = arith.constant 64 : index
        %swap3A_157 = tpu.vector_load %arg6[%swap3A_155, %swap3A_156] {strides = array<i32>} : memref<256x128xf32, #tpu.memory_space<vmem>>, vector<1x16xf32>,
        %swap3A_158 = vector.shape_cast %swap3A_157 : vector<1x16xf32> to vector<16xf32>
        %swap3A_159 = vector.shape_cast %mul3A_154 : vector<16xf32> to vector<1x16xf32>
        tpu.vector_store %arg6[%swap3A_155, %swap3A_156], %swap3A_159 {strides = array<i32>} : memref<256x128xf32, #tpu.memory_space<vmem>>, vector<1x16xf32>,
        %get3A_160 = arith.index_cast %scan3A_100 : i32 to index
        %get3A_161 = arith.constant 80 : index
        %get3A_162 = tpu.vector_load %arg6[%get3A_160, %get3A_161] {strides = array<i32>} : memref<256x128xf32, #tpu.memory_space<vmem>>, vector<1x16xf32>,
        %get3A_163 = vector.shape_cast %get3A_162 : vector<1x16xf32> to vector<16xf32>
        %mul3A_164 = arith.constant 11.3137083 : f32
        %mul3A_165 = vector.broadcast %mul3A_164 : f32 to vector<16xf32>
        %mul3A_166 = arith.mulf %get3A_163, %mul3A_165 : vector<16xf32>
        %swap3A_167 = arith.index_cast %scan3A_100 : i32 to index
        %swap3A_168 = arith.constant 80 : index
        %swap3A_169 = tpu.vector_load %arg6[%swap3A_167, %swap3A_168] {strides = array<i32>} : memref<256x128xf32, #tpu.memory_space<vmem>>, vector<1x16xf32>,
        %swap3A_170 = vector.shape_cast %swap3A_169 : vector<1x16xf32> to vector<16xf32>
        %swap3A_171 = vector.shape_cast %mul3A_166 : vector<16xf32> to vector<1x16xf32>
        tpu.vector_store %arg6[%swap3A_167, %swap3A_168], %swap3A_171 {strides = array<i32>} : memref<256x128xf32, #tpu.memory_space<vmem>>, vector<1x16xf32>,
        %get3A_172 = arith.index_cast %scan3A_100 : i32 to index
        %get3A_173 = arith.constant 96 : index
        %get3A_174 = tpu.vector_load %arg6[%get3A_172, %get3A_173] {strides = array<i32>} : memref<256x128xf32, #tpu.memory_space<vmem>>, vector<1x16xf32>,
        %get3A_175 = vector.shape_cast %get3A_174 : vector<1x16xf32> to vector<16xf32>
        %mul3A_176 = arith.constant 11.3137083 : f32
        %mul3A_177 = vector.broadcast %mul3A_176 : f32 to vector<16xf32>
        %mul3A_178 = arith.mulf %get3A_175, %mul3A_177 : vector<16xf32>
        %swap3A_179 = arith.index_cast %scan3A_100 : i32 to index
        %swap3A_180 = arith.constant 96 : index
        %swap3A_181 = tpu.vector_load %arg6[%swap3A_179, %swap3A_180] {strides = array<i32>} : memref<256x128xf32, #tpu.memory_space<vmem>>, vector<1x16xf32>,
        %swap3A_182 = vector.shape_cast %swap3A_181 : vector<1x16xf32> to vector<16xf32>
        %swap3A_183 = vector.shape_cast %mul3A_178 : vector<16xf32> to vector<1x16xf32>
        tpu.vector_store %arg6[%swap3A_179, %swap3A_180], %swap3A_183 {strides = array<i32>} : memref<256x128xf32, #tpu.memory_space<vmem>>, vector<1x16xf32>,
        %get3A_184 = arith.index_cast %scan3A_100 : i32 to index
        %get3A_185 = arith.constant 112 : index
        %get3A_186 = tpu.vector_load %arg6[%get3A_184, %get3A_185] {strides = array<i32>} : memref<256x128xf32, #tpu.memory_space<vmem>>, vector<1x16xf32>,
        %get3A_187 = vector.shape_cast %get3A_186 : vector<1x16xf32> to vector<16xf32>
        %mul3A_188 = arith.constant 11.3137083 : f32
        %mul3A_189 = vector.broadcast %mul3A_188 : f32 to vector<16xf32>
        %mul3A_190 = arith.mulf %get3A_187, %mul3A_189 : vector<16xf32>
        %swap3A_191 = arith.index_cast %scan3A_100 : i32 to index
        %swap3A_192 = arith.constant 112 : index
        %swap3A_193 = tpu.vector_load %arg6[%swap3A_191, %swap3A_192] {strides = array<i32>} : memref<256x128xf32, #tpu.memory_space<vmem>>, vector<1x16xf32>,
        %swap3A_194 = vector.shape_cast %swap3A_193 : vector<1x16xf32> to vector<16xf32>
        %swap3A_195 = vector.shape_cast %mul3A_190 : vector<16xf32> to vector<1x16xf32>
        tpu.vector_store %arg6[%swap3A_191, %swap3A_192], %swap3A_195 {strides = array<i32>} : memref<256x128xf32, #tpu.memory_space<vmem>>, vector<1x16xf32>,
        %scan3A_196 = arith.constant 0 : i32
        %scan3A_197 = arith.constant 1 : i32
        %scan3A_198 = arith.addi %scan3A_100, %scan3A_197 : i32
        %get3A_199 = arith.index_cast %scan3A_198 : i32 to index
        %get3A_200 = arith.constant 0 : index
        %get3A_201 = tpu.vector_load %arg6[%get3A_199, %get3A_200] {strides = array<i32>} : memref<256x128xf32, #tpu.memory_space<vmem>>, vector<1x16xf32>,
        %get3A_202 = vector.shape_cast %get3A_201 : vector<1x16xf32> to vector<16xf32>
        %mul3A_203 = arith.constant 11.3137083 : f32
        %mul3A_204 = vector.broadcast %mul3A_203 : f32 to vector<16xf32>
        %mul3A_205 = arith.mulf %get3A_202, %mul3A_204 : vector<16xf32>
        %swap3A_206 = arith.index_cast %scan3A_198 : i32 to index
        %swap3A_207 = arith.constant 0 : index
        %swap3A_208 = tpu.vector_load %arg6[%swap3A_206, %swap3A_207] {strides = array<i32>} : memref<256x128xf32, #tpu.memory_space<vmem>>, vector<1x16xf32>,
        %swap3A_209 = vector.shape_cast %swap3A_208 : vector<1x16xf32> to vector<16xf32>
        %swap3A_210 = vector.shape_cast %mul3A_205 : vector<16xf32> to vector<1x16xf32>
        tpu.vector_store %arg6[%swap3A_206, %swap3A_207], %swap3A_210 {strides = array<i32>} : memref<256x128xf32, #tpu.memory_space<vmem>>, vector<1x16xf32>,
        %get3A_211 = arith.index_cast %scan3A_198 : i32 to index
        %get3A_212 = arith.constant 16 : index
        %get3A_213 = tpu.vector_load %arg6[%get3A_211, %get3A_212] {strides = array<i32>} : memref<256x128xf32, #tpu.memory_space<vmem>>, vector<1x16xf32>,
        %get3A_214 = vector.shape_cast %get3A_213 : vector<1x16xf32> to vector<16xf32>
        %mul3A_215 = arith.constant 11.3137083 : f32
        %mul3A_216 = vector.broadcast %mul3A_215 : f32 to vector<16xf32>
        %mul3A_217 = arith.mulf %get3A_214, %mul3A_216 : vector<16xf32>
        %swap3A_218 = arith.index_cast %scan3A_198 : i32 to index
        %swap3A_219 = arith.constant 16 : index
        %swap3A_220 = tpu.vector_load %arg6[%swap3A_218, %swap3A_219] {strides = array<i32>} : memref<256x128xf32, #tpu.memory_space<vmem>>, vector<1x16xf32>,
        %swap3A_221 = vector.shape_cast %swap3A_220 : vector<1x16xf32> to vector<16xf32>
        %swap3A_222 = vector.shape_cast %mul3A_217 : vector<16xf32> to vector<1x16xf32>
        tpu.vector_store %arg6[%swap3A_218, %swap3A_219], %swap3A_222 {strides = array<i32>} : memref<256x128xf32, #tpu.memory_space<vmem>>, vector<1x16xf32>,
        %get3A_223 = arith.index_cast %scan3A_198 : i32 to index
        %get3A_224 = arith.constant 32 : index
        %get3A_225 = tpu.vector_load %arg6[%get3A_223, %get3A_224] {strides = array<i32>} : memref<256x128xf32, #tpu.memory_space<vmem>>, vector<1x16xf32>,
        %get3A_226 = vector.shape_cast %get3A_225 : vector<1x16xf32> to vector<16xf32>
        %mul3A_227 = arith.constant 11.3137083 : f32
        %mul3A_228 = vector.broadcast %mul3A_227 : f32 to vector<16xf32>
        %mul3A_229 = arith.mulf %get3A_226, %mul3A_228 : vector<16xf32>
        %swap3A_230 = arith.index_cast %scan3A_198 : i32 to index
        %swap3A_231 = arith.constant 32 : index
        %swap3A_232 = tpu.vector_load %arg6[%swap3A_230, %swap3A_231] {strides = array<i32>} : memref<256x128xf32, #tpu.memory_space<vmem>>, vector<1x16xf32>,
        %swap3A_233 = vector.shape_cast %swap3A_232 : vector<1x16xf32> to vector<16xf32>
        %swap3A_234 = vector.shape_cast %mul3A_229 : vector<16xf32> to vector<1x16xf32>
        tpu.vector_store %arg6[%swap3A_230, %swap3A_231], %swap3A_234 {strides = array<i32>} : memref<256x128xf32, #tpu.memory_space<vmem>>, vector<1x16xf32>,
        %get3A_235 = arith.index_cast %scan3A_198 : i32 to index
        %get3A_236 = arith.constant 48 : index
        %get3A_237 = tpu.vector_load %arg6[%get3A_235, %get3A_236] {strides = array<i32>} : memref<256x128xf32, #tpu.memory_space<vmem>>, vector<1x16xf32>,
        %get3A_238 = vector.shape_cast %get3A_237 : vector<1x16xf32> to vector<16xf32>
        %mul3A_239 = arith.constant 11.3137083 : f32
        %mul3A_240 = vector.broadcast %mul3A_239 : f32 to vector<16xf32>
        %mul3A_241 = arith.mulf %get3A_238, %mul3A_240 : vector<16xf32>
        %swap3A_242 = arith.index_cast %scan3A_198 : i32 to index
        %swap3A_243 = arith.constant 48 : index
        %swap3A_244 = tpu.vector_load %arg6[%swap3A_242, %swap3A_243] {strides = array<i32>} : memref<256x128xf32, #tpu.memory_space<vmem>>, vector<1x16xf32>,
        %swap3A_245 = vector.shape_cast %swap3A_244 : vector<1x16xf32> to vector<16xf32>
        %swap3A_246 = vector.shape_cast %mul3A_241 : vector<16xf32> to vector<1x16xf32>
        tpu.vector_store %arg6[%swap3A_242, %swap3A_243], %swap3A_246 {strides = array<i32>} : memref<256x128xf32, #tpu.memory_space<vmem>>, vector<1x16xf32>,
        %get3A_247 = arith.index_cast %scan3A_198 : i32 to index
        %get3A_248 = arith.constant 64 : index
        %get3A_249 = tpu.vector_load %arg6[%get3A_247, %get3A_248] {strides = array<i32>} : memref<256x128xf32, #tpu.memory_space<vmem>>, vector<1x16xf32>,
        %get3A_250 = vector.shape_cast %get3A_249 : vector<1x16xf32> to vector<16xf32>
        %mul3A_251 = arith.constant 11.3137083 : f32
        %mul3A_252 = vector.broadcast %mul3A_251 : f32 to vector<16xf32>
        %mul3A_253 = arith.mulf %get3A_250, %mul3A_252 : vector<16xf32>
        %swap3A_254 = arith.index_cast %scan3A_198 : i32 to index
        %swap3A_255 = arith.constant 64 : index
        %swap3A_256 = tpu.vector_load %arg6[%swap3A_254, %swap3A_255] {strides = array<i32>} : memref<256x128xf32, #tpu.memory_space<vmem>>, vector<1x16xf32>,
        %swap3A_257 = vector.shape_cast %swap3A_256 : vector<1x16xf32> to vector<16xf32>
        %swap3A_258 = vector.shape_cast %mul3A_253 : vector<16xf32> to vector<1x16xf32>
        tpu.vector_store %arg6[%swap3A_254, %swap3A_255], %swap3A_258 {strides = array<i32>} : memref<256x128xf32, #tpu.memory_space<vmem>>, vector<1x16xf32>,
        %get3A_259 = arith.index_cast %scan3A_198 : i32 to index
        %get3A_260 = arith.constant 80 : index
        %get3A_261 = tpu.vector_load %arg6[%get3A_259, %get3A_260] {strides = array<i32>} : memref<256x128xf32, #tpu.memory_space<vmem>>, vector<1x16xf32>,
        %get3A_262 = vector.shape_cast %get3A_261 : vector<1x16xf32> to vector<16xf32>
        %mul3A_263 = arith.constant 11.3137083 : f32
        %mul3A_264 = vector.broadcast %mul3A_263 : f32 to vector<16xf32>
        %mul3A_265 = arith.mulf %get3A_262, %mul3A_264 : vector<16xf32>
        %swap3A_266 = arith.index_cast %scan3A_198 : i32 to index
        %swap3A_267 = arith.constant 80 : index
        %swap3A_268 = tpu.vector_load %arg6[%swap3A_266, %swap3A_267] {strides = array<i32>} : memref<256x128xf32, #tpu.memory_space<vmem>>, vector<1x16xf32>,
        %swap3A_269 = vector.shape_cast %swap3A_268 : vector<1x16xf32> to vector<16xf32>
        %swap3A_270 = vector.shape_cast %mul3A_265 : vector<16xf32> to vector<1x16xf32>
        tpu.vector_store %arg6[%swap3A_266, %swap3A_267], %swap3A_270 {strides = array<i32>} : memref<256x128xf32, #tpu.memory_space<vmem>>, vector<1x16xf32>,
        %get3A_271 = arith.index_cast %scan3A_198 : i32 to index
        %get3A_272 = arith.constant 96 : index
        %get3A_273 = tpu.vector_load %arg6[%get3A_271, %get3A_272] {strides = array<i32>} : memref<256x128xf32, #tpu.memory_space<vmem>>, vector<1x16xf32>,
        %get3A_274 = vector.shape_cast %get3A_273 : vector<1x16xf32> to vector<16xf32>
        %mul3A_275 = arith.constant 11.3137083 : f32
        %mul3A_276 = vector.broadcast %mul3A_275 : f32 to vector<16xf32>
        %mul3A_277 = arith.mulf %get3A_274, %mul3A_276 : vector<16xf32>
        %swap3A_278 = arith.index_cast %scan3A_198 : i32 to index
        %swap3A_279 = arith.constant 96 : index
        %swap3A_280 = tpu.vector_load %arg6[%swap3A_278, %swap3A_279] {strides = array<i32>} : memref<256x128xf32, #tpu.memory_space<vmem>>, vector<1x16xf32>,
        %swap3A_281 = vector.shape_cast %swap3A_280 : vector<1x16xf32> to vector<16xf32>
        %swap3A_282 = vector.shape_cast %mul3A_277 : vector<16xf32> to vector<1x16xf32>
        tpu.vector_store %arg6[%swap3A_278, %swap3A_279], %swap3A_282 {strides = array<i32>} : memref<256x128xf32, #tpu.memory_space<vmem>>, vector<1x16xf32>,
        %get3A_283 = arith.index_cast %scan3A_198 : i32 to index
        %get3A_284 = arith.constant 112 : index
        %get3A_285 = tpu.vector_load %arg6[%get3A_283, %get3A_284] {strides = array<i32>} : memref<256x128xf32, #tpu.memory_space<vmem>>, vector<1x16xf32>,
        %get3A_286 = vector.shape_cast %get3A_285 : vector<1x16xf32> to vector<16xf32>
        %mul3A_287 = arith.constant 11.3137083 : f32
        %mul3A_288 = vector.broadcast %mul3A_287 : f32 to vector<16xf32>
        %mul3A_289 = arith.mulf %get3A_286, %mul3A_288 : vector<16xf32>
        %swap3A_290 = arith.index_cast %scan3A_198 : i32 to index
        %swap3A_291 = arith.constant 112 : index
        %swap3A_292 = tpu.vector_load %arg6[%swap3A_290, %swap3A_291] {strides = array<i32>} : memref<256x128xf32, #tpu.memory_space<vmem>>, vector<1x16xf32>,
        %swap3A_293 = vector.shape_cast %swap3A_292 : vector<1x16xf32> to vector<16xf32>
        %swap3A_294 = vector.shape_cast %mul3A_289 : vector<16xf32> to vector<1x16xf32>
        tpu.vector_store %arg6[%swap3A_290, %swap3A_291], %swap3A_294 {strides = array<i32>} : memref<256x128xf32, #tpu.memory_space<vmem>>, vector<1x16xf32>,
        %scan3A_295 = arith.constant 0 : i32
        %scan3A_296 = arith.constant 2 : i32
        %scan3A_297 = arith.addi %scan3A_100, %scan3A_296 : i32
        %get3A_298 = arith.index_cast %scan3A_297 : i32 to index
        %get3A_299 = arith.constant 0 : index
        %get3A_300 = tpu.vector_load %arg6[%get3A_298, %get3A_299] {strides = array<i32>} : memref<256x128xf32, #tpu.memory_space<vmem>>, vector<1x16xf32>,
        %get3A_301 = vector.shape_cast %get3A_300 : vector<1x16xf32> to vector<16xf32>
        %mul3A_302 = arith.constant 11.3137083 : f32
        %mul3A_303 = vector.broadcast %mul3A_302 : f32 to vector<16xf32>
        %mul3A_304 = arith.mulf %get3A_301, %mul3A_303 : vector<16xf32>
        %swap3A_305 = arith.index_cast %scan3A_297 : i32 to index
        %swap3A_306 = arith.constant 0 : index
        %swap3A_307 = tpu.vector_load %arg6[%swap3A_305, %swap3A_306] {strides = array<i32>} : memref<256x128xf32, #tpu.memory_space<vmem>>, vector<1x16xf32>,
        %swap3A_308 = vector.shape_cast %swap3A_307 : vector<1x16xf32> to vector<16xf32>
        %swap3A_309 = vector.shape_cast %mul3A_304 : vector<16xf32> to vector<1x16xf32>
        tpu.vector_store %arg6[%swap3A_305, %swap3A_306], %swap3A_309 {strides = array<i32>} : memref<256x128xf32, #tpu.memory_space<vmem>>, vector<1x16xf32>,
        %get3A_310 = arith.index_cast %scan3A_297 : i32 to index
        %get3A_311 = arith.constant 16 : index
        %get3A_312 = tpu.vector_load %arg6[%get3A_310, %get3A_311] {strides = array<i32>} : memref<256x128xf32, #tpu.memory_space<vmem>>, vector<1x16xf32>,
        %get3A_313 = vector.shape_cast %get3A_312 : vector<1x16xf32> to vector<16xf32>
        %mul3A_314 = arith.constant 11.3137083 : f32
        %mul3A_315 = vector.broadcast %mul3A_314 : f32 to vector<16xf32>
        %mul3A_316 = arith.mulf %get3A_313, %mul3A_315 : vector<16xf32>
        %swap3A_317 = arith.index_cast %scan3A_297 : i32 to index
        %swap3A_318 = arith.constant 16 : index
        %swap3A_319 = tpu.vector_load %arg6[%swap3A_317, %swap3A_318] {strides = array<i32>} : memref<256x128xf32, #tpu.memory_space<vmem>>, vector<1x16xf32>,
        %swap3A_320 = vector.shape_cast %swap3A_319 : vector<1x16xf32> to vector<16xf32>
        %swap3A_321 = vector.shape_cast %mul3A_316 : vector<16xf32> to vector<1x16xf32>
        tpu.vector_store %arg6[%swap3A_317, %swap3A_318], %swap3A_321 {strides = array<i32>} : memref<256x128xf32, #tpu.memory_space<vmem>>, vector<1x16xf32>,
        %get3A_322 = arith.index_cast %scan3A_297 : i32 to index
        %get3A_323 = arith.constant 32 : index
        %get3A_324 = tpu.vector_load %arg6[%get3A_322, %get3A_323] {strides = array<i32>} : memref<256x128xf32, #tpu.memory_space<vmem>>, vector<1x16xf32>,
        %get3A_325 = vector.shape_cast %get3A_324 : vector<1x16xf32> to vector<16xf32>
        %mul3A_326 = arith.constant 11.3137083 : f32
        %mul3A_327 = vector.broadcast %mul3A_326 : f32 to vector<16xf32>
        %mul3A_328 = arith.mulf %get3A_325, %mul3A_327 : vector<16xf32>
        %swap3A_329 = arith.index_cast %scan3A_297 : i32 to index
        %swap3A_330 = arith.constant 32 : index
        %swap3A_331 = tpu.vector_load %arg6[%swap3A_329, %swap3A_330] {strides = array<i32>} : memref<256x128xf32, #tpu.memory_space<vmem>>, vector<1x16xf32>,
        %swap3A_332 = vector.shape_cast %swap3A_331 : vector<1x16xf32> to vector<16xf32>
        %swap3A_333 = vector.shape_cast %mul3A_328 : vector<16xf32> to vector<1x16xf32>
        tpu.vector_store %arg6[%swap3A_329, %swap3A_330], %swap3A_333 {strides = array<i32>} : memref<256x128xf32, #tpu.memory_space<vmem>>, vector<1x16xf32>,
        %get3A_334 = arith.index_cast %scan3A_297 : i32 to index
        %get3A_335 = arith.constant 48 : index
        %get3A_336 = tpu.vector_load %arg6[%get3A_334, %get3A_335] {strides = array<i32>} : memref<256x128xf32, #tpu.memory_space<vmem>>, vector<1x16xf32>,
        %get3A_337 = vector.shape_cast %get3A_336 : vector<1x16xf32> to vector<16xf32>
        %mul3A_338 = arith.constant 11.3137083 : f32
        %mul3A_339 = vector.broadcast %mul3A_338 : f32 to vector<16xf32>
        %mul3A_340 = arith.mulf %get3A_337, %mul3A_339 : vector<16xf32>
        %swap3A_341 = arith.index_cast %scan3A_297 : i32 to index
        %swap3A_342 = arith.constant 48 : index
        %swap3A_343 = tpu.vector_load %arg6[%swap3A_341, %swap3A_342] {strides = array<i32>} : memref<256x128xf32, #tpu.memory_space<vmem>>, vector<1x16xf32>,
        %swap3A_344 = vector.shape_cast %swap3A_343 : vector<1x16xf32> to vector<16xf32>
        %swap3A_345 = vector.shape_cast %mul3A_340 : vector<16xf32> to vector<1x16xf32>
        tpu.vector_store %arg6[%swap3A_341, %swap3A_342], %swap3A_345 {strides = array<i32>} : memref<256x128xf32, #tpu.memory_space<vmem>>, vector<1x16xf32>,
        %get3A_346 = arith.index_cast %scan3A_297 : i32 to index
        %get3A_347 = arith.constant 64 : index
        %get3A_348 = tpu.vector_load %arg6[%get3A_346, %get3A_347] {strides = array<i32>} : memref<256x128xf32, #tpu.memory_space<vmem>>, vector<1x16xf32>,
        %get3A_349 = vector.shape_cast %get3A_348 : vector<1x16xf32> to vector<16xf32>
        %mul3A_350 = arith.constant 11.3137083 : f32
        %mul3A_351 = vector.broadcast %mul3A_350 : f32 to vector<16xf32>
        %mul3A_352 = arith.mulf %get3A_349, %mul3A_351 : vector<16xf32>
        %swap3A_353 = arith.index_cast %scan3A_297 : i32 to index
        %swap3A_354 = arith.constant 64 : index
        %swap3A_355 = tpu.vector_load %arg6[%swap3A_353, %swap3A_354] {strides = array<i32>} : memref<256x128xf32, #tpu.memory_space<vmem>>, vector<1x16xf32>,
        %swap3A_356 = vector.shape_cast %swap3A_355 : vector<1x16xf32> to vector<16xf32>
        %swap3A_357 = vector.shape_cast %mul3A_352 : vector<16xf32> to vector<1x16xf32>
        tpu.vector_store %arg6[%swap3A_353, %swap3A_354], %swap3A_357 {strides = array<i32>} : memref<256x128xf32, #tpu.memory_space<vmem>>, vector<1x16xf32>,
        %get3A_358 = arith.index_cast %scan3A_297 : i32 to index
        %get3A_359 = arith.constant 80 : index
        %get3A_360 = tpu.vector_load %arg6[%get3A_358, %get3A_359] {strides = array<i32>} : memref<256x128xf32, #tpu.memory_space<vmem>>, vector<1x16xf32>,
        %get3A_361 = vector.shape_cast %get3A_360 : vector<1x16xf32> to vector<16xf32>
        %mul3A_362 = arith.constant 11.3137083 : f32
        %mul3A_363 = vector.broadcast %mul3A_362 : f32 to vector<16xf32>
        %mul3A_364 = arith.mulf %get3A_361, %mul3A_363 : vector<16xf32>
        %swap3A_365 = arith.index_cast %scan3A_297 : i32 to index
        %swap3A_366 = arith.constant 80 : index
        %swap3A_367 = tpu.vector_load %arg6[%swap3A_365, %swap3A_366] {strides = array<i32>} : memref<256x128xf32, #tpu.memory_space<vmem>>, vector<1x16xf32>,
        %swap3A_368 = vector.shape_cast %swap3A_367 : vector<1x16xf32> to vector<16xf32>
        %swap3A_369 = vector.shape_cast %mul3A_364 : vector<16xf32> to vector<1x16xf32>
        tpu.vector_store %arg6[%swap3A_365, %swap3A_366], %swap3A_369 {strides = array<i32>} : memref<256x128xf32, #tpu.memory_space<vmem>>, vector<1x16xf32>,
        %get3A_370 = arith.index_cast %scan3A_297 : i32 to index
        %get3A_371 = arith.constant 96 : index
        %get3A_372 = tpu.vector_load %arg6[%get3A_370, %get3A_371] {strides = array<i32>} : memref<256x128xf32, #tpu.memory_space<vmem>>, vector<1x16xf32>,
        %get3A_373 = vector.shape_cast %get3A_372 : vector<1x16xf32> to vector<16xf32>
        %mul3A_374 = arith.constant 11.3137083 : f32
        %mul3A_375 = vector.broadcast %mul3A_374 : f32 to vector<16xf32>
        %mul3A_376 = arith.mulf %get3A_373, %mul3A_375 : vector<16xf32>
        %swap3A_377 = arith.index_cast %scan3A_297 : i32 to index
        %swap3A_378 = arith.constant 96 : index
        %swap3A_379 = tpu.vector_load %arg6[%swap3A_377, %swap3A_378] {strides = array<i32>} : memref<256x128xf32, #tpu.memory_space<vmem>>, vector<1x16xf32>,
        %swap3A_380 = vector.shape_cast %swap3A_379 : vector<1x16xf32> to vector<16xf32>
        %swap3A_381 = vector.shape_cast %mul3A_376 : vector<16xf32> to vector<1x16xf32>
        tpu.vector_store %arg6[%swap3A_377, %swap3A_378], %swap3A_381 {strides = array<i32>} : memref<256x128xf32, #tpu.memory_space<vmem>>, vector<1x16xf32>,
        %get3A_382 = arith.index_cast %scan3A_297 : i32 to index
        %get3A_383 = arith.constant 112 : index
        %get3A_384 = tpu.vector_load %arg6[%get3A_382, %get3A_383] {strides = array<i32>} : memref<256x128xf32, #tpu.memory_space<vmem>>, vector<1x16xf32>,
        %get3A_385 = vector.shape_cast %get3A_384 : vector<1x16xf32> to vector<16xf32>
        %mul3A_386 = arith.constant 11.3137083 : f32
        %mul3A_387 = vector.broadcast %mul3A_386 : f32 to vector<16xf32>
        %mul3A_388 = arith.mulf %get3A_385, %mul3A_387 : vector<16xf32>
        %swap3A_389 = arith.index_cast %scan3A_297 : i32 to index
        %swap3A_390 = arith.constant 112 : index
        %swap3A_391 = tpu.vector_load %arg6[%swap3A_389, %swap3A_390] {strides = array<i32>} : memref<256x128xf32, #tpu.memory_space<vmem>>, vector<1x16xf32>,
        %swap3A_392 = vector.shape_cast %swap3A_391 : vector<1x16xf32> to vector<16xf32>
        %swap3A_393 = vector.shape_cast %mul3A_388 : vector<16xf32> to vector<1x16xf32>
        tpu.vector_store %arg6[%swap3A_389, %swap3A_390], %swap3A_393 {strides = array<i32>} : memref<256x128xf32, #tpu.memory_space<vmem>>, vector<1x16xf32>,
        %scan3A_394 = arith.constant 0 : i32
        %scan3A_395 = arith.constant 3 : i32
        %scan3A_396 = arith.addi %scan3A_100, %scan3A_395 : i32
        %get3A_397 = arith.index_cast %scan3A_396 : i32 to index
        %get3A_398 = arith.constant 0 : index
        %get3A_399 = tpu.vector_load %arg6[%get3A_397, %get3A_398] {strides = array<i32>} : memref<256x128xf32, #tpu.memory_space<vmem>>, vector<1x16xf32>,
        %get3A_400 = vector.shape_cast %get3A_399 : vector<1x16xf32> to vector<16xf32>
        %mul3A_401 = arith.constant 11.3137083 : f32
        %mul3A_402 = vector.broadcast %mul3A_401 : f32 to vector<16xf32>
        %mul3A_403 = arith.mulf %get3A_400, %mul3A_402 : vector<16xf32>
        %swap3A_404 = arith.index_cast %scan3A_396 : i32 to index
        %swap3A_405 = arith.constant 0 : index
        %swap3A_406 = tpu.vector_load %arg6[%swap3A_404, %swap3A_405] {strides = array<i32>} : memref<256x128xf32, #tpu.memory_space<vmem>>, vector<1x16xf32>,
        %swap3A_407 = vector.shape_cast %swap3A_406 : vector<1x16xf32> to vector<16xf32>
        %swap3A_408 = vector.shape_cast %mul3A_403 : vector<16xf32> to vector<1x16xf32>
        tpu.vector_store %arg6[%swap3A_404, %swap3A_405], %swap3A_408 {strides = array<i32>} : memref<256x128xf32, #tpu.memory_space<vmem>>, vector<1x16xf32>,
        %get3A_409 = arith.index_cast %scan3A_396 : i32 to index
        %get3A_410 = arith.constant 16 : index
        %get3A_411 = tpu.vector_load %arg6[%get3A_409, %get3A_410] {strides = array<i32>} : memref<256x128xf32, #tpu.memory_space<vmem>>, vector<1x16xf32>,
        %get3A_412 = vector.shape_cast %get3A_411 : vector<1x16xf32> to vector<16xf32>
        %mul3A_413 = arith.constant 11.3137083 : f32
        %mul3A_414 = vector.broadcast %mul3A_413 : f32 to vector<16xf32>
        %mul3A_415 = arith.mulf %get3A_412, %mul3A_414 : vector<16xf32>
        %swap3A_416 = arith.index_cast %scan3A_396 : i32 to index
        %swap3A_417 = arith.constant 16 : index
        %swap3A_418 = tpu.vector_load %arg6[%swap3A_416, %swap3A_417] {strides = array<i32>} : memref<256x128xf32, #tpu.memory_space<vmem>>, vector<1x16xf32>,
        %swap3A_419 = vector.shape_cast %swap3A_418 : vector<1x16xf32> to vector<16xf32>
        %swap3A_420 = vector.shape_cast %mul3A_415 : vector<16xf32> to vector<1x16xf32>
        tpu.vector_store %arg6[%swap3A_416, %swap3A_417], %swap3A_420 {strides = array<i32>} : memref<256x128xf32, #tpu.memory_space<vmem>>, vector<1x16xf32>,
        %get3A_421 = arith.index_cast %scan3A_396 : i32 to index
        %get3A_422 = arith.constant 32 : index
        %get3A_423 = tpu.vector_load %arg6[%get3A_421, %get3A_422] {strides = array<i32>} : memref<256x128xf32, #tpu.memory_space<vmem>>, vector<1x16xf32>,
        %get3A_424 = vector.shape_cast %get3A_423 : vector<1x16xf32> to vector<16xf32>
        %mul3A_425 = arith.constant 11.3137083 : f32
        %mul3A_426 = vector.broadcast %mul3A_425 : f32 to vector<16xf32>
        %mul3A_427 = arith.mulf %get3A_424, %mul3A_426 : vector<16xf32>
        %swap3A_428 = arith.index_cast %scan3A_396 : i32 to index
        %swap3A_429 = arith.constant 32 : index
        %swap3A_430 = tpu.vector_load %arg6[%swap3A_428, %swap3A_429] {strides = array<i32>} : memref<256x128xf32, #tpu.memory_space<vmem>>, vector<1x16xf32>,
        %swap3A_431 = vector.shape_cast %swap3A_430 : vector<1x16xf32> to vector<16xf32>
        %swap3A_432 = vector.shape_cast %mul3A_427 : vector<16xf32> to vector<1x16xf32>
        tpu.vector_store %arg6[%swap3A_428, %swap3A_429], %swap3A_432 {strides = array<i32>} : memref<256x128xf32, #tpu.memory_space<vmem>>, vector<1x16xf32>,
        %get3A_433 = arith.index_cast %scan3A_396 : i32 to index
        %get3A_434 = arith.constant 48 : index
        %get3A_435 = tpu.vector_load %arg6[%get3A_433, %get3A_434] {strides = array<i32>} : memref<256x128xf32, #tpu.memory_space<vmem>>, vector<1x16xf32>,
        %get3A_436 = vector.shape_cast %get3A_435 : vector<1x16xf32> to vector<16xf32>
        %mul3A_437 = arith.constant 11.3137083 : f32
        %mul3A_438 = vector.broadcast %mul3A_437 : f32 to vector<16xf32>
        %mul3A_439 = arith.mulf %get3A_436, %mul3A_438 : vector<16xf32>
        %swap3A_440 = arith.index_cast %scan3A_396 : i32 to index
        %swap3A_441 = arith.constant 48 : index
        %swap3A_442 = tpu.vector_load %arg6[%swap3A_440, %swap3A_441] {strides = array<i32>} : memref<256x128xf32, #tpu.memory_space<vmem>>, vector<1x16xf32>,
        %swap3A_443 = vector.shape_cast %swap3A_442 : vector<1x16xf32> to vector<16xf32>
        %swap3A_444 = vector.shape_cast %mul3A_439 : vector<16xf32> to vector<1x16xf32>
        tpu.vector_store %arg6[%swap3A_440, %swap3A_441], %swap3A_444 {strides = array<i32>} : memref<256x128xf32, #tpu.memory_space<vmem>>, vector<1x16xf32>,
        %get3A_445 = arith.index_cast %scan3A_396 : i32 to index
        %get3A_446 = arith.constant 64 : index
        %get3A_447 = tpu.vector_load %arg6[%get3A_445, %get3A_446] {strides = array<i32>} : memref<256x128xf32, #tpu.memory_space<vmem>>, vector<1x16xf32>,
        %get3A_448 = vector.shape_cast %get3A_447 : vector<1x16xf32> to vector<16xf32>
        %mul3A_449 = arith.constant 11.3137083 : f32
        %mul3A_450 = vector.broadcast %mul3A_449 : f32 to vector<16xf32>
        %mul3A_451 = arith.mulf %get3A_448, %mul3A_450 : vector<16xf32>
        %swap3A_452 = arith.index_cast %scan3A_396 : i32 to index
        %swap3A_453 = arith.constant 64 : index
        %swap3A_454 = tpu.vector_load %arg6[%swap3A_452, %swap3A_453] {strides = array<i32>} : memref<256x128xf32, #tpu.memory_space<vmem>>, vector<1x16xf32>,
        %swap3A_455 = vector.shape_cast %swap3A_454 : vector<1x16xf32> to vector<16xf32>
        %swap3A_456 = vector.shape_cast %mul3A_451 : vector<16xf32> to vector<1x16xf32>
        tpu.vector_store %arg6[%swap3A_452, %swap3A_453], %swap3A_456 {strides = array<i32>} : memref<256x128xf32, #tpu.memory_space<vmem>>, vector<1x16xf32>,
        %get3A_457 = arith.index_cast %scan3A_396 : i32 to index
        %get3A_458 = arith.constant 80 : index
        %get3A_459 = tpu.vector_load %arg6[%get3A_457, %get3A_458] {strides = array<i32>} : memref<256x128xf32, #tpu.memory_space<vmem>>, vector<1x16xf32>,
        %get3A_460 = vector.shape_cast %get3A_459 : vector<1x16xf32> to vector<16xf32>
        %mul3A_461 = arith.constant 11.3137083 : f32
        %mul3A_462 = vector.broadcast %mul3A_461 : f32 to vector<16xf32>
        %mul3A_463 = arith.mulf %get3A_460, %mul3A_462 : vector<16xf32>
        %swap3A_464 = arith.index_cast %scan3A_396 : i32 to index
        %swap3A_465 = arith.constant 80 : index
        %swap3A_466 = tpu.vector_load %arg6[%swap3A_464, %swap3A_465] {strides = array<i32>} : memref<256x128xf32, #tpu.memory_space<vmem>>, vector<1x16xf32>,
        %swap3A_467 = vector.shape_cast %swap3A_466 : vector<1x16xf32> to vector<16xf32>
        %swap3A_468 = vector.shape_cast %mul3A_463 : vector<16xf32> to vector<1x16xf32>
        tpu.vector_store %arg6[%swap3A_464, %swap3A_465], %swap3A_468 {strides = array<i32>} : memref<256x128xf32, #tpu.memory_space<vmem>>, vector<1x16xf32>,
        %get3A_469 = arith.index_cast %scan3A_396 : i32 to index
        %get3A_470 = arith.constant 96 : index
        %get3A_471 = tpu.vector_load %arg6[%get3A_469, %get3A_470] {strides = array<i32>} : memref<256x128xf32, #tpu.memory_space<vmem>>, vector<1x16xf32>,
        %get3A_472 = vector.shape_cast %get3A_471 : vector<1x16xf32> to vector<16xf32>
        %mul3A_473 = arith.constant 11.3137083 : f32
        %mul3A_474 = vector.broadcast %mul3A_473 : f32 to vector<16xf32>
        %mul3A_475 = arith.mulf %get3A_472, %mul3A_474 : vector<16xf32>
        %swap3A_476 = arith.index_cast %scan3A_396 : i32 to index
        %swap3A_477 = arith.constant 96 : index
        %swap3A_478 = tpu.vector_load %arg6[%swap3A_476, %swap3A_477] {strides = array<i32>} : memref<256x128xf32, #tpu.memory_space<vmem>>, vector<1x16xf32>,
        %swap3A_479 = vector.shape_cast %swap3A_478 : vector<1x16xf32> to vector<16xf32>
        %swap3A_480 = vector.shape_cast %mul3A_475 : vector<16xf32> to vector<1x16xf32>
        tpu.vector_store %arg6[%swap3A_476, %swap3A_477], %swap3A_480 {strides = array<i32>} : memref<256x128xf32, #tpu.memory_space<vmem>>, vector<1x16xf32>,
        %get3A_481 = arith.index_cast %scan3A_396 : i32 to index
        %get3A_482 = arith.constant 112 : index
        %get3A_483 = tpu.vector_load %arg6[%get3A_481, %get3A_482] {strides = array<i32>} : memref<256x128xf32, #tpu.memory_space<vmem>>, vector<1x16xf32>,
        %get3A_484 = vector.shape_cast %get3A_483 : vector<1x16xf32> to vector<16xf32>
        %mul3A_485 = arith.constant 11.3137083 : f32
        %mul3A_486 = vector.broadcast %mul3A_485 : f32 to vector<16xf32>
        %mul3A_487 = arith.mulf %get3A_484, %mul3A_486 : vector<16xf32>
        %swap3A_488 = arith.index_cast %scan3A_396 : i32 to index
        %swap3A_489 = arith.constant 112 : index
        %swap3A_490 = tpu.vector_load %arg6[%swap3A_488, %swap3A_489] {strides = array<i32>} : memref<256x128xf32, #tpu.memory_space<vmem>>, vector<1x16xf32>,
        %swap3A_491 = vector.shape_cast %swap3A_490 : vector<1x16xf32> to vector<16xf32>
        %swap3A_492 = vector.shape_cast %mul3A_487 : vector<16xf32> to vector<1x16xf32>
        tpu.vector_store %arg6[%swap3A_488, %swap3A_489], %swap3A_492 {strides = array<i32>} : memref<256x128xf32, #tpu.memory_space<vmem>>, vector<1x16xf32>,
        %scan3A_493 = arith.constant 0 : i32
        scf.yield %scan3A_493 : i32
      }
      %scan3A_73 = arith.constant 256 : i32
      %mul3A_74 = arith.constant 256 : i32
      %mul3A_75 = arith.muli %mul3A_33, %mul3A_74 : i32
      %add3A_76 = arith.addi %multiple_of3A, %mul3A_75 : i32
      "tpu.region"() ({
        %run_scoped3A = tpu.sem_alloc : memref<!tpu.dma_semaphore, #tpu.memory_space<semaphore_mem>>
        %dma_start3A_100 = arith.constant 0 : i32
        %dma_start3A_101 = tpu.memref_slice %arg4[%add3A_76, %dma_start3A_100] : memref<819200x128xf32, #tpu.memory_space<hbm>> -> memref<256x128xf32, #tpu.memory_space<hbm>>
        %dma_start3A_102 = arith.constant 0 : i32
        %dma_start3A_103 = tpu.memref_slice %arg4[%add3A_76, %dma_start3A_102] : memref<819200x128xf32, #tpu.memory_space<hbm>> -> memref<256x128xf32, #tpu.memory_space<hbm>>
        tpu.enqueue_dma source(%arg6 : memref<256x128xf32, #tpu.memory_space<vmem>>) target(%dma_start3A_103 : memref<256x128xf32, #tpu.memory_space<hbm>>) target_semaphore(%run_scoped3A : memref<!tpu.dma_semaphore, #tpu.memory_space<semaphore_mem>>)
        %dma_wait3A_104 = arith.constant 0 : i32
        %dma_wait3A_105 = tpu.memref_slice %arg4[%add3A_76, %dma_wait3A_104] : memref<819200x128xf32, #tpu.memory_space<hbm>> -> memref<256x128xf32, #tpu.memory_space<hbm>>
        %dma_wait3A_106 = arith.constant 0 : i32
        %dma_wait3A_107 = tpu.memref_slice %arg4[%add3A_76, %dma_wait3A_106] : memref<819200x128xf32, #tpu.memory_space<hbm>> -> memref<256x128xf32, #tpu.memory_space<hbm>>
        tpu.wait_dma2 semaphore(%run_scoped3A : memref<!tpu.dma_semaphore, #tpu.memory_space<semaphore_mem>>) src(%arg6 : memref<256x128xf32, #tpu.memory_space<vmem>>) dst(%dma_wait3A_107 : memref<256x128xf32, #tpu.memory_space<hbm>>)
        tpu.yield
      }) : () -> ()
      %add3A_77 = arith.constant 2 : i32
      %add3A_78 = arith.addi %mul3A_33, %add3A_77 : i32
      %lt3A = arith.constant 100 : i32
      %lt3A_79 = arith.cmpi slt, %add3A_78, %lt3A : i32
      %convert_element_type3A = arith.extui %lt3A_79 : i1 to i32
      %cond3A = arith.constant 0 : i32
      %cond3A_80 = arith.cmpi ne, %convert_element_type3A, %cond3A : i32
      scf.if %cond3A_80 {
        %add3A_100 = arith.constant 2 : i32
        %add3A_101 = arith.addi %mul3A_33, %add3A_100 : i32
        %mul3A_102 = arith.constant 2 : i32
        %mul3A_103 = arith.muli %add3A_101, %mul3A_102 : i32
        %add3A_104 = arith.constant 0 : i32
        %add3A_105 = arith.addi %mul3A_103, %add3A_104 : i32
        %dma_start3A_106 = arith.constant 0 : i32
        %dma_start3A_107 = arith.constant 0 : i32
        %dma_start3A_108 = tpu.memref_slice %arg6[%dma_start3A_106, %dma_start3A_107] : memref<256x128xf32, #tpu.memory_space<vmem>> -> memref<128x128xf32, #tpu.memory_space<vmem>>
        %dma_start3A_109 = arith.constant 0 : i32
        %dma_start3A_110 = tpu.memref_slice %arg5[%add3A_105, %dma_start3A_109] : memref<200x128xi32, #tpu.memory_space<vmem>> -> memref<1x128xi32, #tpu.memory_space<vmem>>
        %dma_start3A_111 = tpu.memref_squeeze %dma_start3A_110 : memref<1x128xi32, #tpu.memory_space<vmem>> -> memref<128xi32, #tpu.memory_space<vmem>>
        %dma_start3A_112 = arith.constant 0 : i32
        %dma_start3A_113 = arith.constant 0 : i32
        %dma_start3A_114 = tpu.memref_slice %arg3[%dma_start3A_112, %dma_start3A_113] : memref<100000x128xf32, #tpu.memory_space<hbm>> -> memref<100000x128xf32, #tpu.memory_space<hbm>>
        tpu.enqueue_indirect_dma source(%dma_start3A_114 : memref<100000x128xf32, #tpu.memory_space<hbm>>) target(%dma_start3A_108 : memref<128x128xf32, #tpu.memory_space<vmem>>) offsets(%dma_start3A_111 : memref<128xi32, #tpu.memory_space<vmem>>) semaphore(%arg8 : memref<!tpu.dma_semaphore, #tpu.memory_space<semaphore_mem>>)
        %mul3A_115 = arith.constant 2 : i32
        %mul3A_116 = arith.muli %add3A_101, %mul3A_115 : i32
        %add3A_117 = arith.constant 1 : i32
        %add3A_118 = arith.addi %mul3A_116, %add3A_117 : i32
        %dma_start3A_119 = arith.constant 128 : i32
        %dma_start3A_120 = arith.constant 0 : i32
        %dma_start3A_121 = tpu.memref_slice %arg6[%dma_start3A_119, %dma_start3A_120] : memref<256x128xf32, #tpu.memory_space<vmem>> -> memref<128x128xf32, #tpu.memory_space<vmem>>
        %dma_start3A_122 = arith.constant 0 : i32
        %dma_start3A_123 = tpu.memref_slice %arg5[%add3A_118, %dma_start3A_122] : memref<200x128xi32, #tpu.memory_space<vmem>> -> memref<1x128xi32, #tpu.memory_space<vmem>>
        %dma_start3A_124 = tpu.memref_squeeze %dma_start3A_123 : memref<1x128xi32, #tpu.memory_space<vmem>> -> memref<128xi32, #tpu.memory_space<vmem>>
        %dma_start3A_125 = arith.constant 0 : i32
        %dma_start3A_126 = arith.constant 0 : i32
        %dma_start3A_127 = tpu.memref_slice %arg3[%dma_start3A_125, %dma_start3A_126] : memref<100000x128xf32, #tpu.memory_space<hbm>> -> memref<100000x128xf32, #tpu.memory_space<hbm>>
        tpu.enqueue_indirect_dma source(%dma_start3A_127 : memref<100000x128xf32, #tpu.memory_space<hbm>>) target(%dma_start3A_121 : memref<128x128xf32, #tpu.memory_space<vmem>>) offsets(%dma_start3A_124 : memref<128xi32, #tpu.memory_space<vmem>>) semaphore(%arg8 : memref<!tpu.dma_semaphore, #tpu.memory_space<semaphore_mem>>)
      } else {
      }
      %dma_wait3A_81 = arith.constant 0 : i32
      %dma_wait3A_82 = arith.constant 0 : i32
      %dma_wait3A_83 = tpu.memref_slice %arg3[%dma_wait3A_81, %dma_wait3A_82] : memref<100000x128xf32, #tpu.memory_space<hbm>> -> memref<256x128xf32, #tpu.memory_space<hbm>>
      %dma_wait3A_84 = arith.constant 0 : i32
      %dma_wait3A_85 = arith.constant 0 : i32
      %dma_wait3A_86 = tpu.memref_slice %arg3[%dma_wait3A_84, %dma_wait3A_85] : memref<100000x128xf32, #tpu.memory_space<hbm>> -> memref<256x128xf32, #tpu.memory_space<hbm>>
      tpu.wait_dma2 semaphore(%arg9 : memref<!tpu.dma_semaphore, #tpu.memory_space<semaphore_mem>>) src(%dma_wait3A_86 : memref<256x128xf32, #tpu.memory_space<hbm>>) dst(%arg7 : memref<256x128xf32, #tpu.memory_space<vmem>>)
      %add3A_87 = arith.constant 1 : i32
      %add3A_88 = arith.addi %mul3A_33, %add3A_87 : i32
      %scan3A_89 = arith.constant 0 : i32
      %scan3A_90 = arith.constant 0 : i32
      %scan3A_91 = arith.constant 256 : i32
      %scan3A_92 = arith.addi %scan3A_90, %scan3A_91 : i32
      %scan3A_93 = arith.constant 4 : i32
      %scan3A_94 = scf.for %scan3A_100 = %scan3A_90 to %scan3A_92 step %scan3A_93 iter_args(%scan3A_101 = %scan3A_89) -> (i32)  : i32 {
        %get3A = arith.index_cast %scan3A_100 : i32 to index
        %get3A_102 = arith.constant 0 : index
        %get3A_103 = tpu.vector_load %arg7[%get3A, %get3A_102] {strides = array<i32>} : memref<256x128xf32, #tpu.memory_space<vmem>>, vector<1x16xf32>,
        %get3A_104 = vector.shape_cast %get3A_103 : vector<1x16xf32> to vector<16xf32>
        %mul3A_105 = arith.constant 11.3137083 : f32
        %mul3A_106 = vector.broadcast %mul3A_105 : f32 to vector<16xf32>
        %mul3A_107 = arith.mulf %get3A_104, %mul3A_106 : vector<16xf32>
        %swap3A = arith.index_cast %scan3A_100 : i32 to index
        %swap3A_108 = arith.constant 0 : index
        %swap3A_109 = tpu.vector_load %arg7[%swap3A, %swap3A_108] {strides = array<i32>} : memref<256x128xf32, #tpu.memory_space<vmem>>, vector<1x16xf32>,
        %swap3A_110 = vector.shape_cast %swap3A_109 : vector<1x16xf32> to vector<16xf32>
        %swap3A_111 = vector.shape_cast %mul3A_107 : vector<16xf32> to vector<1x16xf32>
        tpu.vector_store %arg7[%swap3A, %swap3A_108], %swap3A_111 {strides = array<i32>} : memref<256x128xf32, #tpu.memory_space<vmem>>, vector<1x16xf32>,
        %get3A_112 = arith.index_cast %scan3A_100 : i32 to index
        %get3A_113 = arith.constant 16 : index
        %get3A_114 = tpu.vector_load %arg7[%get3A_112, %get3A_113] {strides = array<i32>} : memref<256x128xf32, #tpu.memory_space<vmem>>, vector<1x16xf32>,
        %get3A_115 = vector.shape_cast %get3A_114 : vector<1x16xf32> to vector<16xf32>
        %mul3A_116 = arith.constant 11.3137083 : f32
        %mul3A_117 = vector.broadcast %mul3A_116 : f32 to vector<16xf32>
        %mul3A_118 = arith.mulf %get3A_115, %mul3A_117 : vector<16xf32>
        %swap3A_119 = arith.index_cast %scan3A_100 : i32 to index
        %swap3A_120 = arith.constant 16 : index
        %swap3A_121 = tpu.vector_load %arg7[%swap3A_119, %swap3A_120] {strides = array<i32>} : memref<256x128xf32, #tpu.memory_space<vmem>>, vector<1x16xf32>,
        %swap3A_122 = vector.shape_cast %swap3A_121 : vector<1x16xf32> to vector<16xf32>
        %swap3A_123 = vector.shape_cast %mul3A_118 : vector<16xf32> to vector<1x16xf32>
        tpu.vector_store %arg7[%swap3A_119, %swap3A_120], %swap3A_123 {strides = array<i32>} : memref<256x128xf32, #tpu.memory_space<vmem>>, vector<1x16xf32>,
        %get3A_124 = arith.index_cast %scan3A_100 : i32 to index
        %get3A_125 = arith.constant 32 : index
        %get3A_126 = tpu.vector_load %arg7[%get3A_124, %get3A_125] {strides = array<i32>} : memref<256x128xf32, #tpu.memory_space<vmem>>, vector<1x16xf32>,
        %get3A_127 = vector.shape_cast %get3A_126 : vector<1x16xf32> to vector<16xf32>
        %mul3A_128 = arith.constant 11.3137083 : f32
        %mul3A_129 = vector.broadcast %mul3A_128 : f32 to vector<16xf32>
        %mul3A_130 = arith.mulf %get3A_127, %mul3A_129 : vector<16xf32>
        %swap3A_131 = arith.index_cast %scan3A_100 : i32 to index
        %swap3A_132 = arith.constant 32 : index
        %swap3A_133 = tpu.vector_load %arg7[%swap3A_131, %swap3A_132] {strides = array<i32>} : memref<256x128xf32, #tpu.memory_space<vmem>>, vector<1x16xf32>,
        %swap3A_134 = vector.shape_cast %swap3A_133 : vector<1x16xf32> to vector<16xf32>
        %swap3A_135 = vector.shape_cast %mul3A_130 : vector<16xf32> to vector<1x16xf32>
        tpu.vector_store %arg7[%swap3A_131, %swap3A_132], %swap3A_135 {strides = array<i32>} : memref<256x128xf32, #tpu.memory_space<vmem>>, vector<1x16xf32>,
        %get3A_136 = arith.index_cast %scan3A_100 : i32 to index
        %get3A_137 = arith.constant 48 : index
        %get3A_138 = tpu.vector_load %arg7[%get3A_136, %get3A_137] {strides = array<i32>} : memref<256x128xf32, #tpu.memory_space<vmem>>, vector<1x16xf32>,
        %get3A_139 = vector.shape_cast %get3A_138 : vector<1x16xf32> to vector<16xf32>
        %mul3A_140 = arith.constant 11.3137083 : f32
        %mul3A_141 = vector.broadcast %mul3A_140 : f32 to vector<16xf32>
        %mul3A_142 = arith.mulf %get3A_139, %mul3A_141 : vector<16xf32>
        %swap3A_143 = arith.index_cast %scan3A_100 : i32 to index
        %swap3A_144 = arith.constant 48 : index
        %swap3A_145 = tpu.vector_load %arg7[%swap3A_143, %swap3A_144] {strides = array<i32>} : memref<256x128xf32, #tpu.memory_space<vmem>>, vector<1x16xf32>,
        %swap3A_146 = vector.shape_cast %swap3A_145 : vector<1x16xf32> to vector<16xf32>
        %swap3A_147 = vector.shape_cast %mul3A_142 : vector<16xf32> to vector<1x16xf32>
        tpu.vector_store %arg7[%swap3A_143, %swap3A_144], %swap3A_147 {strides = array<i32>} : memref<256x128xf32, #tpu.memory_space<vmem>>, vector<1x16xf32>,
        %get3A_148 = arith.index_cast %scan3A_100 : i32 to index
        %get3A_149 = arith.constant 64 : index
        %get3A_150 = tpu.vector_load %arg7[%get3A_148, %get3A_149] {strides = array<i32>} : memref<256x128xf32, #tpu.memory_space<vmem>>, vector<1x16xf32>,
        %get3A_151 = vector.shape_cast %get3A_150 : vector<1x16xf32> to vector<16xf32>
        %mul3A_152 = arith.constant 11.3137083 : f32
        %mul3A_153 = vector.broadcast %mul3A_152 : f32 to vector<16xf32>
        %mul3A_154 = arith.mulf %get3A_151, %mul3A_153 : vector<16xf32>
        %swap3A_155 = arith.index_cast %scan3A_100 : i32 to index
        %swap3A_156 = arith.constant 64 : index
        %swap3A_157 = tpu.vector_load %arg7[%swap3A_155, %swap3A_156] {strides = array<i32>} : memref<256x128xf32, #tpu.memory_space<vmem>>, vector<1x16xf32>,
        %swap3A_158 = vector.shape_cast %swap3A_157 : vector<1x16xf32> to vector<16xf32>
        %swap3A_159 = vector.shape_cast %mul3A_154 : vector<16xf32> to vector<1x16xf32>
        tpu.vector_store %arg7[%swap3A_155, %swap3A_156], %swap3A_159 {strides = array<i32>} : memref<256x128xf32, #tpu.memory_space<vmem>>, vector<1x16xf32>,
        %get3A_160 = arith.index_cast %scan3A_100 : i32 to index
        %get3A_161 = arith.constant 80 : index
        %get3A_162 = tpu.vector_load %arg7[%get3A_160, %get3A_161] {strides = array<i32>} : memref<256x128xf32, #tpu.memory_space<vmem>>, vector<1x16xf32>,
        %get3A_163 = vector.shape_cast %get3A_162 : vector<1x16xf32> to vector<16xf32>
        %mul3A_164 = arith.constant 11.3137083 : f32
        %mul3A_165 = vector.broadcast %mul3A_164 : f32 to vector<16xf32>
        %mul3A_166 = arith.mulf %get3A_163, %mul3A_165 : vector<16xf32>
        %swap3A_167 = arith.index_cast %scan3A_100 : i32 to index
        %swap3A_168 = arith.constant 80 : index
        %swap3A_169 = tpu.vector_load %arg7[%swap3A_167, %swap3A_168] {strides = array<i32>} : memref<256x128xf32, #tpu.memory_space<vmem>>, vector<1x16xf32>,
        %swap3A_170 = vector.shape_cast %swap3A_169 : vector<1x16xf32> to vector<16xf32>
        %swap3A_171 = vector.shape_cast %mul3A_166 : vector<16xf32> to vector<1x16xf32>
        tpu.vector_store %arg7[%swap3A_167, %swap3A_168], %swap3A_171 {strides = array<i32>} : memref<256x128xf32, #tpu.memory_space<vmem>>, vector<1x16xf32>,
        %get3A_172 = arith.index_cast %scan3A_100 : i32 to index
        %get3A_173 = arith.constant 96 : index
        %get3A_174 = tpu.vector_load %arg7[%get3A_172, %get3A_173] {strides = array<i32>} : memref<256x128xf32, #tpu.memory_space<vmem>>, vector<1x16xf32>,
        %get3A_175 = vector.shape_cast %get3A_174 : vector<1x16xf32> to vector<16xf32>
        %mul3A_176 = arith.constant 11.3137083 : f32
        %mul3A_177 = vector.broadcast %mul3A_176 : f32 to vector<16xf32>
        %mul3A_178 = arith.mulf %get3A_175, %mul3A_177 : vector<16xf32>
        %swap3A_179 = arith.index_cast %scan3A_100 : i32 to index
        %swap3A_180 = arith.constant 96 : index
        %swap3A_181 = tpu.vector_load %arg7[%swap3A_179, %swap3A_180] {strides = array<i32>} : memref<256x128xf32, #tpu.memory_space<vmem>>, vector<1x16xf32>,
        %swap3A_182 = vector.shape_cast %swap3A_181 : vector<1x16xf32> to vector<16xf32>
        %swap3A_183 = vector.shape_cast %mul3A_178 : vector<16xf32> to vector<1x16xf32>
        tpu.vector_store %arg7[%swap3A_179, %swap3A_180], %swap3A_183 {strides = array<i32>} : memref<256x128xf32, #tpu.memory_space<vmem>>, vector<1x16xf32>,
        %get3A_184 = arith.index_cast %scan3A_100 : i32 to index
        %get3A_185 = arith.constant 112 : index
        %get3A_186 = tpu.vector_load %arg7[%get3A_184, %get3A_185] {strides = array<i32>} : memref<256x128xf32, #tpu.memory_space<vmem>>, vector<1x16xf32>,
        %get3A_187 = vector.shape_cast %get3A_186 : vector<1x16xf32> to vector<16xf32>
        %mul3A_188 = arith.constant 11.3137083 : f32
        %mul3A_189 = vector.broadcast %mul3A_188 : f32 to vector<16xf32>
        %mul3A_190 = arith.mulf %get3A_187, %mul3A_189 : vector<16xf32>
        %swap3A_191 = arith.index_cast %scan3A_100 : i32 to index
        %swap3A_192 = arith.constant 112 : index
        %swap3A_193 = tpu.vector_load %arg7[%swap3A_191, %swap3A_192] {strides = array<i32>} : memref<256x128xf32, #tpu.memory_space<vmem>>, vector<1x16xf32>,
        %swap3A_194 = vector.shape_cast %swap3A_193 : vector<1x16xf32> to vector<16xf32>
        %swap3A_195 = vector.shape_cast %mul3A_190 : vector<16xf32> to vector<1x16xf32>
        tpu.vector_store %arg7[%swap3A_191, %swap3A_192], %swap3A_195 {strides = array<i32>} : memref<256x128xf32, #tpu.memory_space<vmem>>, vector<1x16xf32>,
        %scan3A_196 = arith.constant 0 : i32
        %scan3A_197 = arith.constant 1 : i32
        %scan3A_198 = arith.addi %scan3A_100, %scan3A_197 : i32
        %get3A_199 = arith.index_cast %scan3A_198 : i32 to index
        %get3A_200 = arith.constant 0 : index
        %get3A_201 = tpu.vector_load %arg7[%get3A_199, %get3A_200] {strides = array<i32>} : memref<256x128xf32, #tpu.memory_space<vmem>>, vector<1x16xf32>,
        %get3A_202 = vector.shape_cast %get3A_201 : vector<1x16xf32> to vector<16xf32>
        %mul3A_203 = arith.constant 11.3137083 : f32
        %mul3A_204 = vector.broadcast %mul3A_203 : f32 to vector<16xf32>
        %mul3A_205 = arith.mulf %get3A_202, %mul3A_204 : vector<16xf32>
        %swap3A_206 = arith.index_cast %scan3A_198 : i32 to index
        %swap3A_207 = arith.constant 0 : index
        %swap3A_208 = tpu.vector_load %arg7[%swap3A_206, %swap3A_207] {strides = array<i32>} : memref<256x128xf32, #tpu.memory_space<vmem>>, vector<1x16xf32>,
        %swap3A_209 = vector.shape_cast %swap3A_208 : vector<1x16xf32> to vector<16xf32>
        %swap3A_210 = vector.shape_cast %mul3A_205 : vector<16xf32> to vector<1x16xf32>
        tpu.vector_store %arg7[%swap3A_206, %swap3A_207], %swap3A_210 {strides = array<i32>} : memref<256x128xf32, #tpu.memory_space<vmem>>, vector<1x16xf32>,
        %get3A_211 = arith.index_cast %scan3A_198 : i32 to index
        %get3A_212 = arith.constant 16 : index
        %get3A_213 = tpu.vector_load %arg7[%get3A_211, %get3A_212] {strides = array<i32>} : memref<256x128xf32, #tpu.memory_space<vmem>>, vector<1x16xf32>,
        %get3A_214 = vector.shape_cast %get3A_213 : vector<1x16xf32> to vector<16xf32>
        %mul3A_215 = arith.constant 11.3137083 : f32
        %mul3A_216 = vector.broadcast %mul3A_215 : f32 to vector<16xf32>
        %mul3A_217 = arith.mulf %get3A_214, %mul3A_216 : vector<16xf32>
        %swap3A_218 = arith.index_cast %scan3A_198 : i32 to index
        %swap3A_219 = arith.constant 16 : index
        %swap3A_220 = tpu.vector_load %arg7[%swap3A_218, %swap3A_219] {strides = array<i32>} : memref<256x128xf32, #tpu.memory_space<vmem>>, vector<1x16xf32>,
        %swap3A_221 = vector.shape_cast %swap3A_220 : vector<1x16xf32> to vector<16xf32>
        %swap3A_222 = vector.shape_cast %mul3A_217 : vector<16xf32> to vector<1x16xf32>
        tpu.vector_store %arg7[%swap3A_218, %swap3A_219], %swap3A_222 {strides = array<i32>} : memref<256x128xf32, #tpu.memory_space<vmem>>, vector<1x16xf32>,
        %get3A_223 = arith.index_cast %scan3A_198 : i32 to index
        %get3A_224 = arith.constant 32 : index
        %get3A_225 = tpu.vector_load %arg7[%get3A_223, %get3A_224] {strides = array<i32>} : memref<256x128xf32, #tpu.memory_space<vmem>>, vector<1x16xf32>,
        %get3A_226 = vector.shape_cast %get3A_225 : vector<1x16xf32> to vector<16xf32>
        %mul3A_227 = arith.constant 11.3137083 : f32
        %mul3A_228 = vector.broadcast %mul3A_227 : f32 to vector<16xf32>
        %mul3A_229 = arith.mulf %get3A_226, %mul3A_228 : vector<16xf32>
        %swap3A_230 = arith.index_cast %scan3A_198 : i32 to index
        %swap3A_231 = arith.constant 32 : index
        %swap3A_232 = tpu.vector_load %arg7[%swap3A_230, %swap3A_231] {strides = array<i32>} : memref<256x128xf32, #tpu.memory_space<vmem>>, vector<1x16xf32>,
        %swap3A_233 = vector.shape_cast %swap3A_232 : vector<1x16xf32> to vector<16xf32>
        %swap3A_234 = vector.shape_cast %mul3A_229 : vector<16xf32> to vector<1x16xf32>
        tpu.vector_store %arg7[%swap3A_230, %swap3A_231], %swap3A_234 {strides = array<i32>} : memref<256x128xf32, #tpu.memory_space<vmem>>, vector<1x16xf32>,
        %get3A_235 = arith.index_cast %scan3A_198 : i32 to index
        %get3A_236 = arith.constant 48 : index
        %get3A_237 = tpu.vector_load %arg7[%get3A_235, %get3A_236] {strides = array<i32>} : memref<256x128xf32, #tpu.memory_space<vmem>>, vector<1x16xf32>,
        %get3A_238 = vector.shape_cast %get3A_237 : vector<1x16xf32> to vector<16xf32>
        %mul3A_239 = arith.constant 11.3137083 : f32
        %mul3A_240 = vector.broadcast %mul3A_239 : f32 to vector<16xf32>
        %mul3A_241 = arith.mulf %get3A_238, %mul3A_240 : vector<16xf32>
        %swap3A_242 = arith.index_cast %scan3A_198 : i32 to index
        %swap3A_243 = arith.constant 48 : index
        %swap3A_244 = tpu.vector_load %arg7[%swap3A_242, %swap3A_243] {strides = array<i32>} : memref<256x128xf32, #tpu.memory_space<vmem>>, vector<1x16xf32>,
        %swap3A_245 = vector.shape_cast %swap3A_244 : vector<1x16xf32> to vector<16xf32>
        %swap3A_246 = vector.shape_cast %mul3A_241 : vector<16xf32> to vector<1x16xf32>
        tpu.vector_store %arg7[%swap3A_242, %swap3A_243], %swap3A_246 {strides = array<i32>} : memref<256x128xf32, #tpu.memory_space<vmem>>, vector<1x16xf32>,
        %get3A_247 = arith.index_cast %scan3A_198 : i32 to index
        %get3A_248 = arith.constant 64 : index
        %get3A_249 = tpu.vector_load %arg7[%get3A_247, %get3A_248] {strides = array<i32>} : memref<256x128xf32, #tpu.memory_space<vmem>>, vector<1x16xf32>,
        %get3A_250 = vector.shape_cast %get3A_249 : vector<1x16xf32> to vector<16xf32>
        %mul3A_251 = arith.constant 11.3137083 : f32
        %mul3A_252 = vector.broadcast %mul3A_251 : f32 to vector<16xf32>
        %mul3A_253 = arith.mulf %get3A_250, %mul3A_252 : vector<16xf32>
        %swap3A_254 = arith.index_cast %scan3A_198 : i32 to index
        %swap3A_255 = arith.constant 64 : index
        %swap3A_256 = tpu.vector_load %arg7[%swap3A_254, %swap3A_255] {strides = array<i32>} : memref<256x128xf32, #tpu.memory_space<vmem>>, vector<1x16xf32>,
        %swap3A_257 = vector.shape_cast %swap3A_256 : vector<1x16xf32> to vector<16xf32>
        %swap3A_258 = vector.shape_cast %mul3A_253 : vector<16xf32> to vector<1x16xf32>
        tpu.vector_store %arg7[%swap3A_254, %swap3A_255], %swap3A_258 {strides = array<i32>} : memref<256x128xf32, #tpu.memory_space<vmem>>, vector<1x16xf32>,
        %get3A_259 = arith.index_cast %scan3A_198 : i32 to index
        %get3A_260 = arith.constant 80 : index
        %get3A_261 = tpu.vector_load %arg7[%get3A_259, %get3A_260] {strides = array<i32>} : memref<256x128xf32, #tpu.memory_space<vmem>>, vector<1x16xf32>,
        %get3A_262 = vector.shape_cast %get3A_261 : vector<1x16xf32> to vector<16xf32>
        %mul3A_263 = arith.constant 11.3137083 : f32
        %mul3A_264 = vector.broadcast %mul3A_263 : f32 to vector<16xf32>
        %mul3A_265 = arith.mulf %get3A_262, %mul3A_264 : vector<16xf32>
        %swap3A_266 = arith.index_cast %scan3A_198 : i32 to index
        %swap3A_267 = arith.constant 80 : index
        %swap3A_268 = tpu.vector_load %arg7[%swap3A_266, %swap3A_267] {strides = array<i32>} : memref<256x128xf32, #tpu.memory_space<vmem>>, vector<1x16xf32>,
        %swap3A_269 = vector.shape_cast %swap3A_268 : vector<1x16xf32> to vector<16xf32>
        %swap3A_270 = vector.shape_cast %mul3A_265 : vector<16xf32> to vector<1x16xf32>
        tpu.vector_store %arg7[%swap3A_266, %swap3A_267], %swap3A_270 {strides = array<i32>} : memref<256x128xf32, #tpu.memory_space<vmem>>, vector<1x16xf32>,
        %get3A_271 = arith.index_cast %scan3A_198 : i32 to index
        %get3A_272 = arith.constant 96 : index
        %get3A_273 = tpu.vector_load %arg7[%get3A_271, %get3A_272] {strides = array<i32>} : memref<256x128xf32, #tpu.memory_space<vmem>>, vector<1x16xf32>,
        %get3A_274 = vector.shape_cast %get3A_273 : vector<1x16xf32> to vector<16xf32>
        %mul3A_275 = arith.constant 11.3137083 : f32
        %mul3A_276 = vector.broadcast %mul3A_275 : f32 to vector<16xf32>
        %mul3A_277 = arith.mulf %get3A_274, %mul3A_276 : vector<16xf32>
        %swap3A_278 = arith.index_cast %scan3A_198 : i32 to index
        %swap3A_279 = arith.constant 96 : index
        %swap3A_280 = tpu.vector_load %arg7[%swap3A_278, %swap3A_279] {strides = array<i32>} : memref<256x128xf32, #tpu.memory_space<vmem>>, vector<1x16xf32>,
        %swap3A_281 = vector.shape_cast %swap3A_280 : vector<1x16xf32> to vector<16xf32>
        %swap3A_282 = vector.shape_cast %mul3A_277 : vector<16xf32> to vector<1x16xf32>
        tpu.vector_store %arg7[%swap3A_278, %swap3A_279], %swap3A_282 {strides = array<i32>} : memref<256x128xf32, #tpu.memory_space<vmem>>, vector<1x16xf32>,
        %get3A_283 = arith.index_cast %scan3A_198 : i32 to index
        %get3A_284 = arith.constant 112 : index
        %get3A_285 = tpu.vector_load %arg7[%get3A_283, %get3A_284] {strides = array<i32>} : memref<256x128xf32, #tpu.memory_space<vmem>>, vector<1x16xf32>,
        %get3A_286 = vector.shape_cast %get3A_285 : vector<1x16xf32> to vector<16xf32>
        %mul3A_287 = arith.constant 11.3137083 : f32
        %mul3A_288 = vector.broadcast %mul3A_287 : f32 to vector<16xf32>
        %mul3A_289 = arith.mulf %get3A_286, %mul3A_288 : vector<16xf32>
        %swap3A_290 = arith.index_cast %scan3A_198 : i32 to index
        %swap3A_291 = arith.constant 112 : index
        %swap3A_292 = tpu.vector_load %arg7[%swap3A_290, %swap3A_291] {strides = array<i32>} : memref<256x128xf32, #tpu.memory_space<vmem>>, vector<1x16xf32>,
        %swap3A_293 = vector.shape_cast %swap3A_292 : vector<1x16xf32> to vector<16xf32>
        %swap3A_294 = vector.shape_cast %mul3A_289 : vector<16xf32> to vector<1x16xf32>
        tpu.vector_store %arg7[%swap3A_290, %swap3A_291], %swap3A_294 {strides = array<i32>} : memref<256x128xf32, #tpu.memory_space<vmem>>, vector<1x16xf32>,
        %scan3A_295 = arith.constant 0 : i32
        %scan3A_296 = arith.constant 2 : i32
        %scan3A_297 = arith.addi %scan3A_100, %scan3A_296 : i32
        %get3A_298 = arith.index_cast %scan3A_297 : i32 to index
        %get3A_299 = arith.constant 0 : index
        %get3A_300 = tpu.vector_load %arg7[%get3A_298, %get3A_299] {strides = array<i32>} : memref<256x128xf32, #tpu.memory_space<vmem>>, vector<1x16xf32>,
        %get3A_301 = vector.shape_cast %get3A_300 : vector<1x16xf32> to vector<16xf32>
        %mul3A_302 = arith.constant 11.3137083 : f32
        %mul3A_303 = vector.broadcast %mul3A_302 : f32 to vector<16xf32>
        %mul3A_304 = arith.mulf %get3A_301, %mul3A_303 : vector<16xf32>
        %swap3A_305 = arith.index_cast %scan3A_297 : i32 to index
        %swap3A_306 = arith.constant 0 : index
        %swap3A_307 = tpu.vector_load %arg7[%swap3A_305, %swap3A_306] {strides = array<i32>} : memref<256x128xf32, #tpu.memory_space<vmem>>, vector<1x16xf32>,
        %swap3A_308 = vector.shape_cast %swap3A_307 : vector<1x16xf32> to vector<16xf32>
        %swap3A_309 = vector.shape_cast %mul3A_304 : vector<16xf32> to vector<1x16xf32>
        tpu.vector_store %arg7[%swap3A_305, %swap3A_306], %swap3A_309 {strides = array<i32>} : memref<256x128xf32, #tpu.memory_space<vmem>>, vector<1x16xf32>,
        %get3A_310 = arith.index_cast %scan3A_297 : i32 to index
        %get3A_311 = arith.constant 16 : index
        %get3A_312 = tpu.vector_load %arg7[%get3A_310, %get3A_311] {strides = array<i32>} : memref<256x128xf32, #tpu.memory_space<vmem>>, vector<1x16xf32>,
        %get3A_313 = vector.shape_cast %get3A_312 : vector<1x16xf32> to vector<16xf32>
        %mul3A_314 = arith.constant 11.3137083 : f32
        %mul3A_315 = vector.broadcast %mul3A_314 : f32 to vector<16xf32>
        %mul3A_316 = arith.mulf %get3A_313, %mul3A_315 : vector<16xf32>
        %swap3A_317 = arith.index_cast %scan3A_297 : i32 to index
        %swap3A_318 = arith.constant 16 : index
        %swap3A_319 = tpu.vector_load %arg7[%swap3A_317, %swap3A_318] {strides = array<i32>} : memref<256x128xf32, #tpu.memory_space<vmem>>, vector<1x16xf32>,
        %swap3A_320 = vector.shape_cast %swap3A_319 : vector<1x16xf32> to vector<16xf32>
        %swap3A_321 = vector.shape_cast %mul3A_316 : vector<16xf32> to vector<1x16xf32>
        tpu.vector_store %arg7[%swap3A_317, %swap3A_318], %swap3A_321 {strides = array<i32>} : memref<256x128xf32, #tpu.memory_space<vmem>>, vector<1x16xf32>,
        %get3A_322 = arith.index_cast %scan3A_297 : i32 to index
        %get3A_323 = arith.constant 32 : index
        %get3A_324 = tpu.vector_load %arg7[%get3A_322, %get3A_323] {strides = array<i32>} : memref<256x128xf32, #tpu.memory_space<vmem>>, vector<1x16xf32>,
        %get3A_325 = vector.shape_cast %get3A_324 : vector<1x16xf32> to vector<16xf32>
        %mul3A_326 = arith.constant 11.3137083 : f32
        %mul3A_327 = vector.broadcast %mul3A_326 : f32 to vector<16xf32>
        %mul3A_328 = arith.mulf %get3A_325, %mul3A_327 : vector<16xf32>
        %swap3A_329 = arith.index_cast %scan3A_297 : i32 to index
        %swap3A_330 = arith.constant 32 : index
        %swap3A_331 = tpu.vector_load %arg7[%swap3A_329, %swap3A_330] {strides = array<i32>} : memref<256x128xf32, #tpu.memory_space<vmem>>, vector<1x16xf32>,
        %swap3A_332 = vector.shape_cast %swap3A_331 : vector<1x16xf32> to vector<16xf32>
        %swap3A_333 = vector.shape_cast %mul3A_328 : vector<16xf32> to vector<1x16xf32>
        tpu.vector_store %arg7[%swap3A_329, %swap3A_330], %swap3A_333 {strides = array<i32>} : memref<256x128xf32, #tpu.memory_space<vmem>>, vector<1x16xf32>,
        %get3A_334 = arith.index_cast %scan3A_297 : i32 to index
        %get3A_335 = arith.constant 48 : index
        %get3A_336 = tpu.vector_load %arg7[%get3A_334, %get3A_335] {strides = array<i32>} : memref<256x128xf32, #tpu.memory_space<vmem>>, vector<1x16xf32>,
        %get3A_337 = vector.shape_cast %get3A_336 : vector<1x16xf32> to vector<16xf32>
        %mul3A_338 = arith.constant 11.3137083 : f32
        %mul3A_339 = vector.broadcast %mul3A_338 : f32 to vector<16xf32>
        %mul3A_340 = arith.mulf %get3A_337, %mul3A_339 : vector<16xf32>
        %swap3A_341 = arith.index_cast %scan3A_297 : i32 to index
        %swap3A_342 = arith.constant 48 : index
        %swap3A_343 = tpu.vector_load %arg7[%swap3A_341, %swap3A_342] {strides = array<i32>} : memref<256x128xf32, #tpu.memory_space<vmem>>, vector<1x16xf32>,
        %swap3A_344 = vector.shape_cast %swap3A_343 : vector<1x16xf32> to vector<16xf32>
        %swap3A_345 = vector.shape_cast %mul3A_340 : vector<16xf32> to vector<1x16xf32>
        tpu.vector_store %arg7[%swap3A_341, %swap3A_342], %swap3A_345 {strides = array<i32>} : memref<256x128xf32, #tpu.memory_space<vmem>>, vector<1x16xf32>,
        %get3A_346 = arith.index_cast %scan3A_297 : i32 to index
        %get3A_347 = arith.constant 64 : index
        %get3A_348 = tpu.vector_load %arg7[%get3A_346, %get3A_347] {strides = array<i32>} : memref<256x128xf32, #tpu.memory_space<vmem>>, vector<1x16xf32>,
        %get3A_349 = vector.shape_cast %get3A_348 : vector<1x16xf32> to vector<16xf32>
        %mul3A_350 = arith.constant 11.3137083 : f32
        %mul3A_351 = vector.broadcast %mul3A_350 : f32 to vector<16xf32>
        %mul3A_352 = arith.mulf %get3A_349, %mul3A_351 : vector<16xf32>
        %swap3A_353 = arith.index_cast %scan3A_297 : i32 to index
        %swap3A_354 = arith.constant 64 : index
        %swap3A_355 = tpu.vector_load %arg7[%swap3A_353, %swap3A_354] {strides = array<i32>} : memref<256x128xf32, #tpu.memory_space<vmem>>, vector<1x16xf32>,
        %swap3A_356 = vector.shape_cast %swap3A_355 : vector<1x16xf32> to vector<16xf32>
        %swap3A_357 = vector.shape_cast %mul3A_352 : vector<16xf32> to vector<1x16xf32>
        tpu.vector_store %arg7[%swap3A_353, %swap3A_354], %swap3A_357 {strides = array<i32>} : memref<256x128xf32, #tpu.memory_space<vmem>>, vector<1x16xf32>,
        %get3A_358 = arith.index_cast %scan3A_297 : i32 to index
        %get3A_359 = arith.constant 80 : index
        %get3A_360 = tpu.vector_load %arg7[%get3A_358, %get3A_359] {strides = array<i32>} : memref<256x128xf32, #tpu.memory_space<vmem>>, vector<1x16xf32>,
        %get3A_361 = vector.shape_cast %get3A_360 : vector<1x16xf32> to vector<16xf32>
        %mul3A_362 = arith.constant 11.3137083 : f32
        %mul3A_363 = vector.broadcast %mul3A_362 : f32 to vector<16xf32>
        %mul3A_364 = arith.mulf %get3A_361, %mul3A_363 : vector<16xf32>
        %swap3A_365 = arith.index_cast %scan3A_297 : i32 to index
        %swap3A_366 = arith.constant 80 : index
        %swap3A_367 = tpu.vector_load %arg7[%swap3A_365, %swap3A_366] {strides = array<i32>} : memref<256x128xf32, #tpu.memory_space<vmem>>, vector<1x16xf32>,
        %swap3A_368 = vector.shape_cast %swap3A_367 : vector<1x16xf32> to vector<16xf32>
        %swap3A_369 = vector.shape_cast %mul3A_364 : vector<16xf32> to vector<1x16xf32>
        tpu.vector_store %arg7[%swap3A_365, %swap3A_366], %swap3A_369 {strides = array<i32>} : memref<256x128xf32, #tpu.memory_space<vmem>>, vector<1x16xf32>,
        %get3A_370 = arith.index_cast %scan3A_297 : i32 to index
        %get3A_371 = arith.constant 96 : index
        %get3A_372 = tpu.vector_load %arg7[%get3A_370, %get3A_371] {strides = array<i32>} : memref<256x128xf32, #tpu.memory_space<vmem>>, vector<1x16xf32>,
        %get3A_373 = vector.shape_cast %get3A_372 : vector<1x16xf32> to vector<16xf32>
        %mul3A_374 = arith.constant 11.3137083 : f32
        %mul3A_375 = vector.broadcast %mul3A_374 : f32 to vector<16xf32>
        %mul3A_376 = arith.mulf %get3A_373, %mul3A_375 : vector<16xf32>
        %swap3A_377 = arith.index_cast %scan3A_297 : i32 to index
        %swap3A_378 = arith.constant 96 : index
        %swap3A_379 = tpu.vector_load %arg7[%swap3A_377, %swap3A_378] {strides = array<i32>} : memref<256x128xf32, #tpu.memory_space<vmem>>, vector<1x16xf32>,
        %swap3A_380 = vector.shape_cast %swap3A_379 : vector<1x16xf32> to vector<16xf32>
        %swap3A_381 = vector.shape_cast %mul3A_376 : vector<16xf32> to vector<1x16xf32>
        tpu.vector_store %arg7[%swap3A_377, %swap3A_378], %swap3A_381 {strides = array<i32>} : memref<256x128xf32, #tpu.memory_space<vmem>>, vector<1x16xf32>,
        %get3A_382 = arith.index_cast %scan3A_297 : i32 to index
        %get3A_383 = arith.constant 112 : index
        %get3A_384 = tpu.vector_load %arg7[%get3A_382, %get3A_383] {strides = array<i32>} : memref<256x128xf32, #tpu.memory_space<vmem>>, vector<1x16xf32>,
        %get3A_385 = vector.shape_cast %get3A_384 : vector<1x16xf32> to vector<16xf32>
        %mul3A_386 = arith.constant 11.3137083 : f32
        %mul3A_387 = vector.broadcast %mul3A_386 : f32 to vector<16xf32>
        %mul3A_388 = arith.mulf %get3A_385, %mul3A_387 : vector<16xf32>
        %swap3A_389 = arith.index_cast %scan3A_297 : i32 to index
        %swap3A_390 = arith.constant 112 : index
        %swap3A_391 = tpu.vector_load %arg7[%swap3A_389, %swap3A_390] {strides = array<i32>} : memref<256x128xf32, #tpu.memory_space<vmem>>, vector<1x16xf32>,
        %swap3A_392 = vector.shape_cast %swap3A_391 : vector<1x16xf32> to vector<16xf32>
        %swap3A_393 = vector.shape_cast %mul3A_388 : vector<16xf32> to vector<1x16xf32>
        tpu.vector_store %arg7[%swap3A_389, %swap3A_390], %swap3A_393 {strides = array<i32>} : memref<256x128xf32, #tpu.memory_space<vmem>>, vector<1x16xf32>,
        %scan3A_394 = arith.constant 0 : i32
        %scan3A_395 = arith.constant 3 : i32
        %scan3A_396 = arith.addi %scan3A_100, %scan3A_395 : i32
        %get3A_397 = arith.index_cast %scan3A_396 : i32 to index
        %get3A_398 = arith.constant 0 : index
        %get3A_399 = tpu.vector_load %arg7[%get3A_397, %get3A_398] {strides = array<i32>} : memref<256x128xf32, #tpu.memory_space<vmem>>, vector<1x16xf32>,
        %get3A_400 = vector.shape_cast %get3A_399 : vector<1x16xf32> to vector<16xf32>
        %mul3A_401 = arith.constant 11.3137083 : f32
        %mul3A_402 = vector.broadcast %mul3A_401 : f32 to vector<16xf32>
        %mul3A_403 = arith.mulf %get3A_400, %mul3A_402 : vector<16xf32>
        %swap3A_404 = arith.index_cast %scan3A_396 : i32 to index
        %swap3A_405 = arith.constant 0 : index
        %swap3A_406 = tpu.vector_load %arg7[%swap3A_404, %swap3A_405] {strides = array<i32>} : memref<256x128xf32, #tpu.memory_space<vmem>>, vector<1x16xf32>,
        %swap3A_407 = vector.shape_cast %swap3A_406 : vector<1x16xf32> to vector<16xf32>
        %swap3A_408 = vector.shape_cast %mul3A_403 : vector<16xf32> to vector<1x16xf32>
        tpu.vector_store %arg7[%swap3A_404, %swap3A_405], %swap3A_408 {strides = array<i32>} : memref<256x128xf32, #tpu.memory_space<vmem>>, vector<1x16xf32>,
        %get3A_409 = arith.index_cast %scan3A_396 : i32 to index
        %get3A_410 = arith.constant 16 : index
        %get3A_411 = tpu.vector_load %arg7[%get3A_409, %get3A_410] {strides = array<i32>} : memref<256x128xf32, #tpu.memory_space<vmem>>, vector<1x16xf32>,
        %get3A_412 = vector.shape_cast %get3A_411 : vector<1x16xf32> to vector<16xf32>
        %mul3A_413 = arith.constant 11.3137083 : f32
        %mul3A_414 = vector.broadcast %mul3A_413 : f32 to vector<16xf32>
        %mul3A_415 = arith.mulf %get3A_412, %mul3A_414 : vector<16xf32>
        %swap3A_416 = arith.index_cast %scan3A_396 : i32 to index
        %swap3A_417 = arith.constant 16 : index
        %swap3A_418 = tpu.vector_load %arg7[%swap3A_416, %swap3A_417] {strides = array<i32>} : memref<256x128xf32, #tpu.memory_space<vmem>>, vector<1x16xf32>,
        %swap3A_419 = vector.shape_cast %swap3A_418 : vector<1x16xf32> to vector<16xf32>
        %swap3A_420 = vector.shape_cast %mul3A_415 : vector<16xf32> to vector<1x16xf32>
        tpu.vector_store %arg7[%swap3A_416, %swap3A_417], %swap3A_420 {strides = array<i32>} : memref<256x128xf32, #tpu.memory_space<vmem>>, vector<1x16xf32>,
        %get3A_421 = arith.index_cast %scan3A_396 : i32 to index
        %get3A_422 = arith.constant 32 : index
        %get3A_423 = tpu.vector_load %arg7[%get3A_421, %get3A_422] {strides = array<i32>} : memref<256x128xf32, #tpu.memory_space<vmem>>, vector<1x16xf32>,
        %get3A_424 = vector.shape_cast %get3A_423 : vector<1x16xf32> to vector<16xf32>
        %mul3A_425 = arith.constant 11.3137083 : f32
        %mul3A_426 = vector.broadcast %mul3A_425 : f32 to vector<16xf32>
        %mul3A_427 = arith.mulf %get3A_424, %mul3A_426 : vector<16xf32>
        %swap3A_428 = arith.index_cast %scan3A_396 : i32 to index
        %swap3A_429 = arith.constant 32 : index
        %swap3A_430 = tpu.vector_load %arg7[%swap3A_428, %swap3A_429] {strides = array<i32>} : memref<256x128xf32, #tpu.memory_space<vmem>>, vector<1x16xf32>,
        %swap3A_431 = vector.shape_cast %swap3A_430 : vector<1x16xf32> to vector<16xf32>
        %swap3A_432 = vector.shape_cast %mul3A_427 : vector<16xf32> to vector<1x16xf32>
        tpu.vector_store %arg7[%swap3A_428, %swap3A_429], %swap3A_432 {strides = array<i32>} : memref<256x128xf32, #tpu.memory_space<vmem>>, vector<1x16xf32>,
        %get3A_433 = arith.index_cast %scan3A_396 : i32 to index
        %get3A_434 = arith.constant 48 : index
        %get3A_435 = tpu.vector_load %arg7[%get3A_433, %get3A_434] {strides = array<i32>} : memref<256x128xf32, #tpu.memory_space<vmem>>, vector<1x16xf32>,
        %get3A_436 = vector.shape_cast %get3A_435 : vector<1x16xf32> to vector<16xf32>
        %mul3A_437 = arith.constant 11.3137083 : f32
        %mul3A_438 = vector.broadcast %mul3A_437 : f32 to vector<16xf32>
        %mul3A_439 = arith.mulf %get3A_436, %mul3A_438 : vector<16xf32>
        %swap3A_440 = arith.index_cast %scan3A_396 : i32 to index
        %swap3A_441 = arith.constant 48 : index
        %swap3A_442 = tpu.vector_load %arg7[%swap3A_440, %swap3A_441] {strides = array<i32>} : memref<256x128xf32, #tpu.memory_space<vmem>>, vector<1x16xf32>,
        %swap3A_443 = vector.shape_cast %swap3A_442 : vector<1x16xf32> to vector<16xf32>
        %swap3A_444 = vector.shape_cast %mul3A_439 : vector<16xf32> to vector<1x16xf32>
        tpu.vector_store %arg7[%swap3A_440, %swap3A_441], %swap3A_444 {strides = array<i32>} : memref<256x128xf32, #tpu.memory_space<vmem>>, vector<1x16xf32>,
        %get3A_445 = arith.index_cast %scan3A_396 : i32 to index
        %get3A_446 = arith.constant 64 : index
        %get3A_447 = tpu.vector_load %arg7[%get3A_445, %get3A_446] {strides = array<i32>} : memref<256x128xf32, #tpu.memory_space<vmem>>, vector<1x16xf32>,
        %get3A_448 = vector.shape_cast %get3A_447 : vector<1x16xf32> to vector<16xf32>
        %mul3A_449 = arith.constant 11.3137083 : f32
        %mul3A_450 = vector.broadcast %mul3A_449 : f32 to vector<16xf32>
        %mul3A_451 = arith.mulf %get3A_448, %mul3A_450 : vector<16xf32>
        %swap3A_452 = arith.index_cast %scan3A_396 : i32 to index
        %swap3A_453 = arith.constant 64 : index
        %swap3A_454 = tpu.vector_load %arg7[%swap3A_452, %swap3A_453] {strides = array<i32>} : memref<256x128xf32, #tpu.memory_space<vmem>>, vector<1x16xf32>,
        %swap3A_455 = vector.shape_cast %swap3A_454 : vector<1x16xf32> to vector<16xf32>
        %swap3A_456 = vector.shape_cast %mul3A_451 : vector<16xf32> to vector<1x16xf32>
        tpu.vector_store %arg7[%swap3A_452, %swap3A_453], %swap3A_456 {strides = array<i32>} : memref<256x128xf32, #tpu.memory_space<vmem>>, vector<1x16xf32>,
        %get3A_457 = arith.index_cast %scan3A_396 : i32 to index
        %get3A_458 = arith.constant 80 : index
        %get3A_459 = tpu.vector_load %arg7[%get3A_457, %get3A_458] {strides = array<i32>} : memref<256x128xf32, #tpu.memory_space<vmem>>, vector<1x16xf32>,
        %get3A_460 = vector.shape_cast %get3A_459 : vector<1x16xf32> to vector<16xf32>
        %mul3A_461 = arith.constant 11.3137083 : f32
        %mul3A_462 = vector.broadcast %mul3A_461 : f32 to vector<16xf32>
        %mul3A_463 = arith.mulf %get3A_460, %mul3A_462 : vector<16xf32>
        %swap3A_464 = arith.index_cast %scan3A_396 : i32 to index
        %swap3A_465 = arith.constant 80 : index
        %swap3A_466 = tpu.vector_load %arg7[%swap3A_464, %swap3A_465] {strides = array<i32>} : memref<256x128xf32, #tpu.memory_space<vmem>>, vector<1x16xf32>,
        %swap3A_467 = vector.shape_cast %swap3A_466 : vector<1x16xf32> to vector<16xf32>
        %swap3A_468 = vector.shape_cast %mul3A_463 : vector<16xf32> to vector<1x16xf32>
        tpu.vector_store %arg7[%swap3A_464, %swap3A_465], %swap3A_468 {strides = array<i32>} : memref<256x128xf32, #tpu.memory_space<vmem>>, vector<1x16xf32>,
        %get3A_469 = arith.index_cast %scan3A_396 : i32 to index
        %get3A_470 = arith.constant 96 : index
        %get3A_471 = tpu.vector_load %arg7[%get3A_469, %get3A_470] {strides = array<i32>} : memref<256x128xf32, #tpu.memory_space<vmem>>, vector<1x16xf32>,
        %get3A_472 = vector.shape_cast %get3A_471 : vector<1x16xf32> to vector<16xf32>
        %mul3A_473 = arith.constant 11.3137083 : f32
        %mul3A_474 = vector.broadcast %mul3A_473 : f32 to vector<16xf32>
        %mul3A_475 = arith.mulf %get3A_472, %mul3A_474 : vector<16xf32>
        %swap3A_476 = arith.index_cast %scan3A_396 : i32 to index
        %swap3A_477 = arith.constant 96 : index
        %swap3A_478 = tpu.vector_load %arg7[%swap3A_476, %swap3A_477] {strides = array<i32>} : memref<256x128xf32, #tpu.memory_space<vmem>>, vector<1x16xf32>,
        %swap3A_479 = vector.shape_cast %swap3A_478 : vector<1x16xf32> to vector<16xf32>
        %swap3A_480 = vector.shape_cast %mul3A_475 : vector<16xf32> to vector<1x16xf32>
        tpu.vector_store %arg7[%swap3A_476, %swap3A_477], %swap3A_480 {strides = array<i32>} : memref<256x128xf32, #tpu.memory_space<vmem>>, vector<1x16xf32>,
        %get3A_481 = arith.index_cast %scan3A_396 : i32 to index
        %get3A_482 = arith.constant 112 : index
        %get3A_483 = tpu.vector_load %arg7[%get3A_481, %get3A_482] {strides = array<i32>} : memref<256x128xf32, #tpu.memory_space<vmem>>, vector<1x16xf32>,
        %get3A_484 = vector.shape_cast %get3A_483 : vector<1x16xf32> to vector<16xf32>
        %mul3A_485 = arith.constant 11.3137083 : f32
        %mul3A_486 = vector.broadcast %mul3A_485 : f32 to vector<16xf32>
        %mul3A_487 = arith.mulf %get3A_484, %mul3A_486 : vector<16xf32>
        %swap3A_488 = arith.index_cast %scan3A_396 : i32 to index
        %swap3A_489 = arith.constant 112 : index
        %swap3A_490 = tpu.vector_load %arg7[%swap3A_488, %swap3A_489] {strides = array<i32>} : memref<256x128xf32, #tpu.memory_space<vmem>>, vector<1x16xf32>,
        %swap3A_491 = vector.shape_cast %swap3A_490 : vector<1x16xf32> to vector<16xf32>
        %swap3A_492 = vector.shape_cast %mul3A_487 : vector<16xf32> to vector<1x16xf32>
        tpu.vector_store %arg7[%swap3A_488, %swap3A_489], %swap3A_492 {strides = array<i32>} : memref<256x128xf32, #tpu.memory_space<vmem>>, vector<1x16xf32>,
        %scan3A_493 = arith.constant 0 : i32
        scf.yield %scan3A_493 : i32
      }
      %scan3A_95 = arith.constant 256 : i32
      %mul3A_96 = arith.constant 256 : i32
      %mul3A_97 = arith.muli %add3A_88, %mul3A_96 : i32
      %add3A_98 = arith.addi %multiple_of3A, %mul3A_97 : i32
      "tpu.region"() ({
        %run_scoped3A = tpu.sem_alloc : memref<!tpu.dma_semaphore, #tpu.memory_space<semaphore_mem>>
        %dma_start3A_100 = arith.constant 0 : i32
        %dma_start3A_101 = tpu.memref_slice %arg4[%add3A_98, %dma_start3A_100] : memref<819200x128xf32, #tpu.memory_space<hbm>> -> memref<256x128xf32, #tpu.memory_space<hbm>>
        %dma_start3A_102 = arith.constant 0 : i32
        %dma_start3A_103 = tpu.memref_slice %arg4[%add3A_98, %dma_start3A_102] : memref<819200x128xf32, #tpu.memory_space<hbm>> -> memref<256x128xf32, #tpu.memory_space<hbm>>
        tpu.enqueue_dma source(%arg7 : memref<256x128xf32, #tpu.memory_space<vmem>>) target(%dma_start3A_103 : memref<256x128xf32, #tpu.memory_space<hbm>>) target_semaphore(%run_scoped3A : memref<!tpu.dma_semaphore, #tpu.memory_space<semaphore_mem>>)
        %dma_wait3A_104 = arith.constant 0 : i32
        %dma_wait3A_105 = tpu.memref_slice %arg4[%add3A_98, %dma_wait3A_104] : memref<819200x128xf32, #tpu.memory_space<hbm>> -> memref<256x128xf32, #tpu.memory_space<hbm>>
        %dma_wait3A_106 = arith.constant 0 : i32
        %dma_wait3A_107 = tpu.memref_slice %arg4[%add3A_98, %dma_wait3A_106] : memref<819200x128xf32, #tpu.memory_space<hbm>> -> memref<256x128xf32, #tpu.memory_space<hbm>>
        tpu.wait_dma2 semaphore(%run_scoped3A : memref<!tpu.dma_semaphore, #tpu.memory_space<semaphore_mem>>) src(%arg7 : memref<256x128xf32, #tpu.memory_space<vmem>>) dst(%dma_wait3A_107 : memref<256x128xf32, #tpu.memory_space<hbm>>)
        tpu.yield
      }) : () -> ()
      %scan3A_99 = arith.constant 0 : i32
      scf.yield %scan3A_99 : i32
    }
    %scan3A_29 = arith.constant 50 : i32
    return
  }
}

</mosaic_0001>

<sc_bundles>
// kernel: _embed.3.cloned.1.call-start
scs
__scs_entry_jumppad:
0x0: {  	(pc) =	sbr.rel $0x88, $3  }
0x1: {  	(tag) =	ssettag $0x0;
	lr =	simm.s32 $0x1  }
0x2: {  	[smem:$0x3F9F] =	sst lr;
	_ =	strace $0xD0000000  }
0x3: {  	_ = 	snop  }
0x4: {  	_ = 	snop  }
0x5: {  	_ = 	snop  }
0x6: {  	_ = 	snop  }
0x7: {  	_ = 	snop  }
__scs_overlays_trampoline_lowered:
0x8: {  	[smem:$0x3FAE] =	sst s0  }
0x9: {  	[smem:$0x3FAF] =	sst s1  }
0xa: {  	[smem:$0x3FB0] =	sst s2  }
0xb: {  	[smem:$0x3FB1] =	sst s3  }
0xc: {  	[smem:$0x3FB2] =	sst s4  }
0xd: {  	[smem:$0x3FB3] =	sst s5  }
0xe: {  	[smem:$0x3FB4] =	sst s6  }
0xf: {  	[smem:$0x3FB5] =	sst s7  }
0x10: {  	[smem:$0x3FB6] =	sst s8  }
0x11: {  	[smem:$0x3FB7] =	sst s9;
	s0 =	simm.s32 @!p0 $0x0  }
0x12: {  	s1 =	sld [smem:$0x3F9D];
	s0 =	simm.s32 @p0 $0x1  }
0x13: {  	[smem:$0x3FB8] =	sst s0;
	s0 =	simm.s32 @!p1 $0x0  }
0x14: {  	s2 =	sld [smem:$0x3F9C];
	s0 =	simm.s32 @p1 $0x1  }
0x15: {  	[smem:$0x3FB9] =	sst s0;
	s0 =	simm.s32 @!p2 $0x0  }
0x16: {  	s3 =	sld [smem:$0x3FDB];
	s0 =	simm.s32 @p2 $0x1  }
0x17: {  	s4 =	simm.s32 $0x1BF5;
	[smem:$0x3FBB] =	sst s0  }
0x18: {  	s0 =	sld [smem:$0x3F9E];
	_ =	swait.ge [sflag:s4], $0x0  }
0x19: {  	s7 =	sld [smem:$0x3F9F]  }
0x1a: {  	s8 =	sadd.s32 $0xFFFFE003, lr  }
0x1b: {  	s9 =	sadd.s32 $0xFFFFFEF7, lr;
	s5 =	simm.s32 $0xFFFFFFFF;
	p2 =	slt.u32 s8, $0xFFFFF086  }
0x1c: {  	p1 =	slt.u32 s9, $0xF7A;
	s5 =	simm.s32 @!p2 $0x0  }
0x1d: {  	s5 =	simm.s32 @p1 $0x1;
	p0 =	seq.s32 s7, s2  }
0x1e: {  	s7 =	smul.u32 @!p0 $0xF7A, s2;
	p2 =	seq.s32 @!p0 s5, $0x0  }
0x1f: {  	s9 =	smul.u32 $0xF7A, s1;
	s8 =	simm.s32 @!p0 $0x1BF5;
	p2 =	por !p2, p0  }
0x20: {  	[sflag:s8] =	ssyncset.s32 @!p0 $0xFFFFF086;
	s6 =	sadd.s32 @!p0 s3, s7;
	s7 =	simm.s32 @!p0 $0x108  }
0x21: {  	s3 =	sadd.s32 s3, s9;
	s6 =	sadd.s32 @!p0 $0x88, s6;
	s7 =	simm.s32 @p2 $0x1082  }
0x22: {  	[simem:s7], [sflag:s8] =	dma.local @!p0 [hbm:s6], $0xF7A  }
0x23: {  	s9 =	sor.u32 $0xD0000000, s2;
	s6 =	simm.s32 $0x108;
	_ =	swait.ge @!p0 [sflag:s8], $0x0  }
0x24: {  	s3 =	sadd.s32 $0x88, s3;
	s6 =	simm.s32 @!p1 $0x1082;
	[sflag:s4] =	ssyncset.s32 $0xFFFFF086  }
0x25: {  	[simem:s6], [sflag:s4] =	dma.local [hbm:s3], $0xF7A  }
0x26: {  	[smem:$0x3F9F] =	sst s1;
	(tag) =	ssettag s2;
	_ =	strace s9  }
0x27: {  	s1 =	sld [smem:$0x3FAF]  }
0x28: {  	s2 =	sld [smem:$0x3FB0]  }
0x29: {  	s4 =	sld [smem:$0x3FB2]  }
0x2a: {  	p0 =	seq.s32 s5, $0x0;
	s5 =	sld [smem:$0x3FB3]  }
0x2b: {  	s6 =	sld [smem:$0x3FB4]  }
0x2c: {  	s7 =	sld [smem:$0x3FB5]  }
0x2d: {  	s3 =	simm.s32 $0x108;
	s8 =	sld [smem:$0x3FB6]  }
0x2e: {  	s3 =	simm.s32 @!p0 $0x1082;
	s9 =	sld [smem:$0x3FB7]  }
0x2f: {  	lr =	sadd.s32 s0, s3;
	s0 =	sld [smem:$0x3FAE]  }
0x30: {  	s3 =	sld [smem:$0x3FB1]  }
0x31: {  	[smem:$0x3FBA] =	sst s10  }
0x32: {  	s10 =	sld [smem:$0x3FB8];
	_ =	sdelay $0x3  }
0x33: {  	p0 =	seq.s32 s10, $0x1;
	s10 =	sld [smem:$0x3FBA];
	_ =	sdelay $0x3  }
0x34: {  	[smem:$0x3FBA] =	sst s10  }
0x35: {  	s10 =	sld [smem:$0x3FB9];
	_ =	sdelay $0x3  }
0x36: {  	p1 =	seq.s32 s10, $0x1;
	s10 =	sld [smem:$0x3FBA];
	_ =	sdelay $0x3  }
0x37: {  	[smem:$0x3FBA] =	sst s10  }
0x38: {  	s10 =	sld [smem:$0x3FBB]  }
0x39: {  	_ = 	snop;
	(pc) =	sbr.ind lr, $3  }
0x3a: {  	_ = 	snop  }
0x3b: {  	_ = 	snop  }
0x3c: {  	p2 =	seq.s32 s10, $0x1;
	s10 =	sld [smem:$0x3FBA]  }
0x3d: {  	_ =	shalt  }
0x3e: {  	_ =	shalt  }
0x3f: {  	_ =	shalt  }
0x40: {  	_ =	shalt  }
0x41: {  	_ =	shalt  }
0x42: {  	_ =	shalt  }
0x43: {  	_ =	shalt  }
0x44: {  	_ =	shalt  }
0x45: {  	_ =	shalt  }
0x46: {  	_ =	shalt  }
0x47: {  	_ =	shalt  }
0x48: {  	_ =	shalt  }
0x49: {  	_ =	shalt  }
0x4a: {  	_ =	shalt  }
0x4b: {  	_ =	shalt  }
0x4c: {  	_ =	shalt  }
0x4d: {  	_ =	shalt  }
0x4e: {  	_ =	shalt  }
0x4f: {  	_ =	shalt  }
0x50: {  	_ =	shalt  }
0x51: {  	_ =	shalt  }
0x52: {  	_ =	shalt  }
0x53: {  	_ =	shalt  }
0x54: {  	_ =	shalt  }
0x55: {  	_ =	shalt  }
0x56: {  	_ =	shalt  }
0x57: {  	_ =	shalt  }
0x58: {  	_ =	shalt  }
0x59: {  	_ =	shalt  }
0x5a: {  	_ =	shalt  }
0x5b: {  	_ =	shalt  }
0x5c: {  	_ =	shalt  }
0x5d: {  	_ =	shalt  }
0x5e: {  	_ =	shalt  }
0x5f: {  	_ =	shalt  }
0x60: {  	_ =	shalt  }
0x61: {  	_ =	shalt  }
0x62: {  	_ =	shalt  }
0x63: {  	_ =	shalt  }
0x64: {  	_ =	shalt  }
0x65: {  	_ =	shalt  }
0x66: {  	_ =	shalt  }
0x67: {  	_ =	shalt  }
0x68: {  	_ =	shalt  }
0x69: {  	_ =	shalt  }
0x6a: {  	_ =	shalt  }
0x6b: {  	_ =	shalt  }
0x6c: {  	_ =	shalt  }
0x6d: {  	_ =	shalt  }
0x6e: {  	_ =	shalt  }
0x6f: {  	_ =	shalt  }
0x70: {  	_ =	shalt  }
0x71: {  	_ =	shalt  }
0x72: {  	_ =	shalt  }
0x73: {  	_ =	shalt  }
0x74: {  	_ =	shalt  }
0x75: {  	_ =	shalt  }
0x76: {  	_ =	shalt  }
0x77: {  	_ =	shalt  }
0x78: {  	_ =	shalt  }
0x79: {  	_ =	shalt  }
0x7a: {  	_ =	shalt  }
0x7b: {  	_ =	shalt  }
0x7c: {  	_ =	shalt  }
0x7d: {  	_ =	shalt  }
0x7e: {  	_ =	shalt  }
0x7f: {  	_ =	shalt  }
0x80: {  	_ =	shalt  }
0x81: {  	_ =	shalt  }
0x82: {  	_ =	shalt  }
0x83: {  	_ =	shalt  }
0x84: {  	_ =	shalt  }
0x85: {  	_ =	shalt  }
0x86: {  	_ =	shalt  }
0x87: {  	_ =	shalt  }
.Lfunc_end0:
.L_simem_size_0:
called_computation_lowered:
.L_overlay_start_0:
0x88: {  	s2 =	sld [smem:$0x3FD9]  }
0x89: {  	s3 =	sld [smem:$0x3FFE];
	_ =	sdelay $0x1  }
0x8a: {  	s1 =	srdreg.scid  }
0x8b: {  	s0 =	sand.u32 $0x1, s1  }
0x8c: {  	s18 =	sshll.u32 s0, $0xA;
	s2 =	sadd.s32 s3, s2  }
0x8d: {  	s2 =	sadd.s32 s2, s18  }
0x8e: {  	[smem:$0x3FC6] =	sst s2  }
0x8f: {  	_ = 	snop  }
0x90: {  	s2 =	sld [smem:$0x3FC9]  }
0x91: {  	s19 =	sld [smem:$0x3FC8]  }
0x92: {  	s4 =	sld [smem:$0x3FD0];
	(tm) =	ssettm $0x1  }
0x93: {  	s5 =	sld [smem:$0x3FFB];
	_ =	sdelay $0x3  }
0x94: {  	_ =	strace s5  }
0x95: {  	s5 =	sld [smem:$0x3FFC];
	_ =	sdelay $0x3  }
0x96: {  	_ =	strace s5  }
0x97: {  	s5 =	sld [smem:$0x3FFD];
	_ =	sdelay $0x3  }
0x98: {  	_ =	strace s5  }
0x99: {  	_ =	strace $0x8FFFFFFF  }
0x9a: {  	s20 =	sld [smem:$0x3FDB];
	_ =	sdelay $0x1  }
0x9b: {  	s6 =	simm.s32 $_scs_section_size  }
0x9c: {  	s7 =	simm.s32 $_size__tile_overlayer_lowered;
	s8 =	simm.s32 $_tile_overlayer_lowered  }
0x9d: {  	s23 =	simm.s32 $0x1BFF;
	s22 =	sshll.u32 s8, $0x1;
	s5 =	sadd.s32 s6, s20  }
0x9e: {  	s9 =	simm.s32 $0x0;
	s21 =	sshll.u32 s7, $0x1;
	s7 =	sadd.s32 s22, s5  }
0x9f: {  	[timem:s9], [sflag:s23] =	dma.local [hbm:s7], s21  }
0xa0: {  	_ =	swait.ge [sflag:s23], s21  }
0xa1: {  	s6 =	ssub.s32 $0x0, s21;
	[sflag:s23] =	ssyncset.done $0x0  }
0xa2: {  	[sflag:s23] =	ssyncadd.s32 s6;
	_ =	sdelay $0x1  }
0xa3: {  	s24 =	simm.s32 $0x1B8B  }
0xa4: {  	_ =	swait.ge [sflag:s24], $0x1  }
0xa5: {  	[sflag:s24] =	ssyncset.done $0x0  }
0xa6: {  	s25 =	simm.s32 $0x1B8E;
	[sflag:s24] =	ssyncadd.s32 $0xFFFFFFFF  }
0xa7: {  	s26 =	simm.s32 $execute0_lowered;
	[smem:$0x3FD2] =	sst s25  }
0xa8: {  	s6 =	sshll.u32 s26, $0x1;
	_ =	strace $0x80000046;
	[dreg:$0x1] =	wrdreg $0xFFFFFFFF  }
0xa9: {  	s28 =	simm.s32 $_size_execute0_lowered;
	s5 =	sadd.s32 s5, s6;
	[dreg:$0x0] =	wrdreg $0x0  }
0xaa: {  	s6 =	sshll.u32 s28, $0x1;
	[dreg:$0x2] =	wrdreg s5  }
0xab: {  	[dreg:$0x3] =	wrdreg s6  }
0xac: {  	[dreg:$0x4] =	wrdreg $0xC0  }
0xad: {  	_ =	task [dreg:s9], $0x5FFFF  }
0xae: {  	[dreg:$0x1] =	wrdreg $0xFFFFFFFF  }
0xaf: {  	[dreg:$0x0] =	wrdreg $0x60  }
0xb0: {  	[dreg:$0x2] =	wrdreg s2  }
0xb1: {  	[dreg:$0x3] =	wrdreg s19  }
0xb2: {  	[dreg:$0x4] =	wrdreg s4  }
0xb3: {  	[dreg:$0x5] =	wrdreg $0x9  }
0xb4: {  	_ =	task.clear_ibuf [dreg:s9], $0x6FFFF;
	_ =	strace $0x90000046  }
0xb5: {  	s29 =	simm.s32 $0x9;
	_ =	strace $0x80000048  }
0xb6: {  	_ =	swait.ge [sflag:s29], $0x1  }
0xb7: {  	[sflag:s29] =	ssyncadd.s32 $0xFFFFFFFF  }
0xb8: {  	_ =	strace $0x90000048  }
0xb9: {  	_ =	sfence  }
0xba: {  	s30 =	sld [smem:$0x0];
	_ =	sdelay $0x2  }
0xbb: {  	s31 =	sshll.u32 s1, $0xD;
	s1 =	sshrl.u32 s1, $0x2  }
0xbc: {  	s3 =	sand.u32 $0x4000, s31;
	s1 =	sadd.s32 s1, s30  }
0xbd: {  	s0 =	sor.u32 s3, s0;
	s1 =	sshll.u32 s1, $0x11  }
0xbe: {  	s0 =	sor.u32 s1, s0  }
0xbf: {  	s0 =	sadd.s32 $0x8F2B, s0  }
0xc0: {  	[sflag:s0] =	ssyncadd.remote.s32 $0x1  }
0xc1: {  	_ =	sfence.sel $0xFFFF  }
0xc2: {  	[dreg:$0x0] =	wrdreg $0xFFFFFFFF;
	(pc) =	sbr.abs _section_cstart, $3  }
0xc3: {  	[dreg:$0x1] =	wrdreg $0xFFFFFFFF  }
0xc4: {  	_ =	task.clear_ibuf [dreg:s9], $0x2FFFF;
	_ =	strace $0x9FFFFFFF  }
0xc5: {  	(tm) =	ssettm $0x7FFFFFFF  }
tec
execute0_lowered:
.L_overlay_start_1:
0x0: {  	(tag) =	ssettag $0x1  }
0x1: {  	s5 =	rddreg [dreg:$0x0]  }
0x2: {  	s2 =	rddreg [dreg:$0x1]  }
0x3: {  	s3 =	rddreg [dreg:$0x2];
	s4 =	srdreg.scid  }
0x4: {  	s1 =	stileid.u32;
	s0 =	rddreg [dreg:$0x3];
	s10 =	simm.s32 $0x6400  }
0x5: {  	s11 =	simm.s32 $0xA400;
	s12 =	simm.s32 $0xE400;
	s13 =	simm.s32 $0x12400  }
0x6: {  	s14 =	simm.s32 $0x1;
	s15 =	simm.s32 $0x2;
	s16 =	simm.s32 $0x0  }
0x7: {  	s6 =	sand.u32 $0x1, s4;
	s7 =	sshll.u32 s1, $0x1;
	s4 =	simm.s32 $0x0  }
0x8: {  	s8 =	ssub.s32 $0x2, s6;
	s6 =	sor.u32 s6, s7;
	[smem:$0x7FF] =	sst s4  }
0x9: {  	s31 =	sshrl.u32 s8, $0x1;
	s9 =	smul.u32 $0xC80, s6;
	_ =	strace $0x80000047  }
0xa: {  	s6 =	smul.u32 $0x320000, s6;
	s7 =	ssub.s32 s8, s31;
	s8 =	simm.s32 $0x3  }
0xb: {  	s5 =	sadd.s32 s5, s9;
	s7 =	smax.u32 s7, $0x1;
	s9 =	simm.s32 $0x80  }
.LBB2_1:
0xc: {  	[tilespmem:s4], [sflag:$0x3] =	stream.linear.gather [hbm4b:s5+s4], $0x6400, $0x38;
	[tilespmem:$0x16400] =	vst v63  }
0xd: {  	_ =	swait.ge [sflag:s8], $0x6400  }
0xe: {  	[sflag:s8] =	ssyncset.done $0x0  }
0xf: {  	[sflag:s8] =	ssyncadd.s32 $0xFFFF9C00  }
0x10: {  	[tilespmem:s10], [sflag:$0x1] =	stream.indirect.gather [hbm4b:s2+s9], $0x80, s4, s9, $0xb8;
	[tilespmem:$0x16400] =	vst v63  }
0x11: {  	s17 =	simm.s32 $0x0  }
0x12: {  	[tilespmem:s11], [sflag:$0x1] =	stream.indirect.gather [hbm4b:s2+s9], $0x80, s9, s9, $0xb8;
	[tilespmem:$0x16400] =	vst v63  }
.LBB2_2:
0x13: {  	s18 =	sshllo.u32 s17, $0x1  }
0x14: {  	s19 =	sshll.u32 s18, $0x8  }
0x15: {  	s19 =	sand.u32 $0x3FFFFF00, s19  }
0x16: {  	[tilespmem:s12], [sflag:$0x2] =	stream.indirect.gather [hbm4b:s2+s9], $0x80, s19, s9, $0xb8;
	[tilespmem:$0x16400] =	vst v63  }
0x17: {  	s19 =	sor.u32 $0x80, s19  }
0x18: {  	[tilespmem:s13], [sflag:$0x2] =	stream.indirect.gather [hbm4b:s2+s9], $0x80, s19, s9, $0xb8;
	[tilespmem:$0x16400] =	vst v63  }
0x19: {  	_ =	swait.ge [sflag:s14], $0x8000  }
0x1a: {  	[sflag:s14] =	ssyncset.done $0x0  }
0x1b: {  	s19 =	simm.s32 $0x6500;
	[sflag:s14] =	ssyncadd.s32 $0xFFFF8000  }
0x1c: {  	v0 =	vld [tilespmem:s19+$0xFFFFFF00]  }
0x1d: {  	v1 =	vld [tilespmem:s19+$0xFFFFFF10]  }
0x1e: {  	v2 =	vld [tilespmem:s19+$0xFFFFFF20]  }
0x1f: {  	v3 =	vld [tilespmem:s19+$0xFFFFFF30]  }
0x20: {  	v4 =	vld [tilespmem:s19+$0xFFFFFF40]  }
0x21: {  	v5 =	vld [tilespmem:s19+$0xFFFFFF50];
	v0 =	vmul.f32 $1.131370830e+01, v0  }
0x22: {  	v6 =	vld [tilespmem:s19+$0xFFFFFF60];
	v1 =	vmul.f32 $1.131370830e+01, v1  }
0x23: {  	[tilespmem:s19+$0xFFFFFF00] =	vst v0;
	v0 =	vmul.f32 $1.131370830e+01, v2;
	v2 =	vld [tilespmem:s19+$0xFFFFFF70]  }
0x24: {  	[tilespmem:s19+$0xFFFFFF10] =	vst v1;
	v1 =	vmul.f32 $1.131370830e+01, v3;
	v3 =	vld [tilespmem:s19+$0xFFFFFF80]  }
0x25: {  	[tilespmem:s19+$0xFFFFFF20] =	vst v0;
	v0 =	vmul.f32 $1.131370830e+01, v4;
	v4 =	vld [tilespmem:s19+$0xFFFFFF90]  }
0x26: {  	[tilespmem:s19+$0xFFFFFF30] =	vst v1;
	v1 =	vmul.f32 $1.131370830e+01, v5;
	v5 =	vld [tilespmem:s19+$0xFFFFFFA0]  }
0x27: {  	[tilespmem:s19+$0xFFFFFF40] =	vst v0;
	v0 =	vmul.f32 $1.131370830e+01, v6;
	v6 =	vld [tilespmem:s19+$0xFFFFFFB0]  }
0x28: {  	[tilespmem:s19+$0xFFFFFF50] =	vst v1;
	v1 =	vmul.f32 $1.131370830e+01, v2;
	v2 =	vld [tilespmem:s19+$0xFFFFFFC0]  }
0x29: {  	[tilespmem:s19+$0xFFFFFF60] =	vst v0;
	v0 =	vmul.f32 $1.131370830e+01, v3;
	v3 =	vld [tilespmem:s19+$0xFFFFFFD0]  }
0x2a: {  	[tilespmem:s19+$0xFFFFFF70] =	vst v1;
	v1 =	vmul.f32 $1.131370830e+01, v4;
	v4 =	vld [tilespmem:s19+$0xFFFFFFE0]  }
0x2b: {  	[tilespmem:s19+$0xFFFFFF80] =	vst v0;
	v0 =	vmul.f32 $1.131370830e+01, v5;
	v5 =	vld [tilespmem:s19+$0x0]  }
0x2c: {  	[tilespmem:s19+$0xFFFFFF90] =	vst v1;
	v1 =	vmul.f32 $1.131370830e+01, v6;
	v6 =	vld [tilespmem:s19+$0x10]  }
0x2d: {  	[tilespmem:s19+$0xFFFFFFA0] =	vst v0;
	v0 =	vmul.f32 $1.131370830e+01, v2;
	v2 =	vld [tilespmem:s19+$0x20]  }
0x2e: {  	[tilespmem:s19+$0xFFFFFFB0] =	vst v1;
	v1 =	vmul.f32 $1.131370830e+01, v3;
	v3 =	vld [tilespmem:s19+$0x30]  }
0x2f: {  	[tilespmem:s19+$0xFFFFFFC0] =	vst v0;
	v0 =	vmul.f32 $1.131370830e+01, v4;
	v4 =	vld [tilespmem:s19+$0x40]  }
0x30: {  	[tilespmem:s19+$0xFFFFFFD0] =	vst v1;
	v1 =	vmul.f32 $1.131370830e+01, v5;
	v5 =	vld [tilespmem:s19+$0x50]  }
0x31: {  	[tilespmem:s19+$0xFFFFFFE0] =	vst v0;
	v0 =	vmul.f32 $1.131370830e+01, v6;
	v6 =	vld [tilespmem:s19+$0x60]  }
0x32: {  	[tilespmem:s19+$0x0] =	vst v1;
	v1 =	vmul.f32 $1.131370830e+01, v2;
	v2 =	vld [tilespmem:s19+$0x70]  }
0x33: {  	[tilespmem:s19+$0x10] =	vst v0;
	v0 =	vmul.f32 $1.131370830e+01, v3;
	v3 =	vld [tilespmem:s19+$0x80]  }
0x34: {  	[tilespmem:s19+$0x20] =	vst v1;
	v1 =	vmul.f32 $1.131370830e+01, v4;
	v4 =	vld [tilespmem:s19+$0x90]  }
0x35: {  	[tilespmem:s19+$0x30] =	vst v0;
	v0 =	vmul.f32 $1.131370830e+01, v5;
	v5 =	vld [tilespmem:s19+$0xA0]  }
0x36: {  	[tilespmem:s19+$0x40] =	vst v1;
	v1 =	vmul.f32 $1.131370830e+01, v6;
	v6 =	vld [tilespmem:s19+$0xB0]  }
0x37: {  	[tilespmem:s19+$0x50] =	vst v0;
	v2 =	vmul.f32 $1.131370830e+01, v2;
	v0 =	vld [tilespmem:s19+$0xC0]  }
0x38: {  	[tilespmem:s19+$0x60] =	vst v1;
	v3 =	vmul.f32 $1.131370830e+01, v3;
	v1 =	vld [tilespmem:s19+$0xD0]  }
0x39: {  	[tilespmem:s19+$0x70] =	vst v2;
	v7 =	vmul.f32 $1.131370830e+01, v4;
	v2 =	vld [tilespmem:s19+$0xE0]  }
0x3a: {  	[tilespmem:s19+$0x80] =	vst v3;
	v3 =	vld [tilespmem:s19+$0xF0];
	v5 =	vmul.f32 $1.131370830e+01, v5  }
0x3b: {  	s20 =	simm.s32 $0x0;
	s21 =	simm.s32 $0x6700;
	v4 =	vld [tilespmem:s19+$0xFFFFFFF0];
	[tilespmem:s19+$0x90] =	vst v7;
	v6 =	vmul.f32 $1.131370830e+01, v6  }
.LBB2_3:
0x3c: {  	v7 =	vld [tilespmem:s21+$0xFFFFFF00];
	[tilespmem:s19+$0xA0] =	vst v5;
	v0 =	vmul.f32 $1.131370830e+01, v0  }
0x3d: {  	v5 =	vld [tilespmem:s21+$0xFFFFFF10];
	[tilespmem:s19+$0xB0] =	vst v6;
	v1 =	vmul.f32 $1.131370830e+01, v1  }
0x3e: {  	v6 =	vld [tilespmem:s21+$0xFFFFFF20];
	[tilespmem:s19+$0xC0] =	vst v0;
	v0 =	vmul.f32 $1.131370830e+01, v2  }
0x3f: {  	v2 =	vld [tilespmem:s21+$0xFFFFFF30];
	[tilespmem:s19+$0xD0] =	vst v1;
	v1 =	vmul.f32 $1.131370830e+01, v3  }
0x40: {  	v3 =	vld [tilespmem:s21+$0xFFFFFF40];
	v4 =	vmul.f32 $1.131370830e+01, v4;
	[tilespmem:s19+$0xE0] =	vst v0  }
0x41: {  	v0 =	vmul.f32 $1.131370830e+01, v7;
	v7 =	vld [tilespmem:s21+$0xFFFFFF50];
	[tilespmem:s19+$0xF0] =	vst v1  }
0x42: {  	v1 =	vmul.f32 $1.131370830e+01, v5;
	v5 =	vld [tilespmem:s21+$0xFFFFFF60];
	[tilespmem:s19+$0xFFFFFFF0] =	vst v4;
	s19 =	smov.u32 s21  }
0x43: {  	[tilespmem:s21+$0xFFFFFF00] =	vst v0;
	v0 =	vmul.f32 $1.131370830e+01, v6;
	v4 =	vld [tilespmem:s21+$0xFFFFFF70]  }
0x44: {  	[tilespmem:s21+$0xFFFFFF10] =	vst v1;
	v1 =	vmul.f32 $1.131370830e+01, v2;
	v2 =	vld [tilespmem:s21+$0xFFFFFF80]  }
0x45: {  	[tilespmem:s21+$0xFFFFFF20] =	vst v0;
	v0 =	vmul.f32 $1.131370830e+01, v3;
	v3 =	vld [tilespmem:s21+$0xFFFFFF90]  }
0x46: {  	[tilespmem:s21+$0xFFFFFF30] =	vst v1;
	v1 =	vmul.f32 $1.131370830e+01, v7;
	v6 =	vld [tilespmem:s21+$0xFFFFFFA0]  }
0x47: {  	[tilespmem:s21+$0xFFFFFF40] =	vst v0;
	v0 =	vmul.f32 $1.131370830e+01, v5;
	v5 =	vld [tilespmem:s21+$0xFFFFFFB0]  }
0x48: {  	[tilespmem:s21+$0xFFFFFF50] =	vst v1;
	v1 =	vmul.f32 $1.131370830e+01, v4;
	v4 =	vld [tilespmem:s21+$0xFFFFFFC0]  }
0x49: {  	[tilespmem:s21+$0xFFFFFF60] =	vst v0;
	v0 =	vmul.f32 $1.131370830e+01, v2;
	v2 =	vld [tilespmem:s21+$0xFFFFFFD0]  }
0x4a: {  	[tilespmem:s21+$0xFFFFFF70] =	vst v1;
	v1 =	vmul.f32 $1.131370830e+01, v3;
	v3 =	vld [tilespmem:s21+$0xFFFFFFE0]  }
0x4b: {  	[tilespmem:s21+$0xFFFFFF80] =	vst v0;
	v0 =	vmul.f32 $1.131370830e+01, v6;
	v6 =	vld [tilespmem:s21+$0x0]  }
0x4c: {  	[tilespmem:s21+$0xFFFFFF90] =	vst v1;
	v1 =	vmul.f32 $1.131370830e+01, v5;
	v5 =	vld [tilespmem:s21+$0x10]  }
0x4d: {  	[tilespmem:s21+$0xFFFFFFA0] =	vst v0;
	v0 =	vmul.f32 $1.131370830e+01, v4;
	v4 =	vld [tilespmem:s21+$0x20]  }
0x4e: {  	[tilespmem:s21+$0xFFFFFFB0] =	vst v1;
	v1 =	vmul.f32 $1.131370830e+01, v2;
	v2 =	vld [tilespmem:s21+$0x30]  }
0x4f: {  	[tilespmem:s21+$0xFFFFFFC0] =	vst v0;
	v0 =	vmul.f32 $1.131370830e+01, v3;
	v3 =	vld [tilespmem:s21+$0x40]  }
0x50: {  	[tilespmem:s21+$0xFFFFFFD0] =	vst v1;
	v1 =	vmul.f32 $1.131370830e+01, v6;
	v6 =	vld [tilespmem:s21+$0x50]  }
0x51: {  	[tilespmem:s21+$0xFFFFFFE0] =	vst v0;
	v0 =	vmul.f32 $1.131370830e+01, v5;
	v5 =	vld [tilespmem:s21+$0x60]  }
0x52: {  	[tilespmem:s21+$0x0] =	vst v1;
	v1 =	vmul.f32 $1.131370830e+01, v4;
	v4 =	vld [tilespmem:s21+$0x70]  }
0x53: {  	[tilespmem:s21+$0x10] =	vst v0;
	v0 =	vmul.f32 $1.131370830e+01, v2;
	v2 =	vld [tilespmem:s21+$0x80]  }
0x54: {  	[tilespmem:s21+$0x20] =	vst v1;
	v1 =	vmul.f32 $1.131370830e+01, v3;
	v3 =	vld [tilespmem:s21+$0x90]  }
0x55: {  	s20 =	sadd.s32 $0x4, s20;
	[tilespmem:s21+$0x30] =	vst v0;
	v0 =	vmul.f32 $1.131370830e+01, v6;
	v6 =	vld [tilespmem:s21+$0xA0]  }
0x56: {  	p0 =	slt.u32 s20, $0xFC;
	[tilespmem:s21+$0x40] =	vst v1;
	v1 =	vmul.f32 $1.131370830e+01, v5;
	v7 =	vld [tilespmem:s21+$0xB0]  }
.Ltmp0:
0x57: {  	[tilespmem:s21+$0x50] =	vst v0;
	v4 =	vmul.f32 $1.131370830e+01, v4;
	v0 =	vld [tilespmem:s21+$0xC0];
	(pc) =	sbr.rel @p0 .LBB2_3-.Ltmp0, $4  }
0x58: {  	[tilespmem:s21+$0x60] =	vst v1;
	v5 =	vmul.f32 $1.131370830e+01, v2;
	v1 =	vld [tilespmem:s21+$0xD0]  }
0x59: {  	[tilespmem:s21+$0x70] =	vst v4;
	v8 =	vmul.f32 $1.131370830e+01, v3;
	v2 =	vld [tilespmem:s21+$0xE0]  }
0x5a: {  	[tilespmem:s21+$0x80] =	vst v5;
	v5 =	vmul.f32 $1.131370830e+01, v6;
	v3 =	vld [tilespmem:s21+$0xF0]  }
0x5b: {  	s21 =	sadd.s32 $0x200, s21;
	v4 =	vld [tilespmem:s19+$0xFFFFFFF0];
	[tilespmem:s19+$0x90] =	vst v8;
	v6 =	vmul.f32 $1.131370830e+01, v7  }
0x5c: {  	[tilespmem:s19+$0xA0] =	vst v5;
	v0 =	vmul.f32 $1.131370830e+01, v0  }
0x5d: {  	[tilespmem:s19+$0xB0] =	vst v6;
	v1 =	vmul.f32 $1.131370830e+01, v1  }
0x5e: {  	[tilespmem:s19+$0xC0] =	vst v0;
	v0 =	vmul.f32 $1.131370830e+01, v2  }
0x5f: {  	s20 =	sshll.u32 s17, $0x10;
	[tilespmem:s19+$0xD0] =	vst v1;
	v1 =	vmul.f32 $1.131370830e+01, v3  }
0x60: {  	s20 =	sadd.s32 s6, s20;
	v2 =	vmul.f32 $1.131370830e+01, v4;
	[tilespmem:s19+$0xE0] =	vst v0  }
0x61: {  	s20 =	sshrl.u32 s20, $0x3;
	[tilespmem:s19+$0xF0] =	vst v1  }
0x62: {  	p0 =	seq.s32 s17, $0x31;
	s31 =	sadd.s32 s3, s20;
	[tilespmem:s19+$0xFFFFFFF0] =	vst v2  }
0x63: {  	[hbm4b:s31+s4] =	stream.linear.scatter [tilespmem:s10], [sflag:$0x3], $0x8000, $0x38;
	[tilespmem:$0x16400] =	vst v63  }
0x64: {  	s19 =	sshll.u32 @!p0 s17, $0x9;
	_ =	swait.ge [sflag:s8], $0x8000  }
0x65: {  	s21 =	simm.s32 @!p0 $0x80;
	s19 =	sand.u32 @!p0 $0x3FFFFE00, s19;
	[sflag:s8] =	ssyncset.done $0x0  }
0x66: {  	s22 =	simm.s32 @!p0 $0x6400;
	s20 =	sadd.s32 @!p0 $0x200, s19;
	[sflag:s8] =	ssyncadd.s32 $0xFFFF8000  }
0x67: {  	[tilespmem:s22], [sflag:$0x1] =	stream.indirect.gather @!p0 [hbm4b:s2+s21], $0x80, s20, s21, $0xb8;
	[tilespmem:$0x16400] =	vst v63  }
0x68: {  	s19 =	sadd.s32 @!p0 $0x280, s19;
	s20 =	simm.s32 @!p0 $0xA400  }
0x69: {  	[tilespmem:s20], [sflag:$0x1] =	stream.indirect.gather @!p0 [hbm4b:s2+s21], $0x80, s19, s21, $0xb8;
	[tilespmem:$0x16400] =	vst v63  }
0x6a: {  	_ =	swait.ge [sflag:s15], $0x8000  }
0x6b: {  	[sflag:s15] =	ssyncset.done $0x0  }
0x6c: {  	s19 =	simm.s32 $0xE500;
	[sflag:s15] =	ssyncadd.s32 $0xFFFF8000  }
0x6d: {  	v0 =	vld [tilespmem:s19+$0xFFFFFF00]  }
0x6e: {  	v1 =	vld [tilespmem:s19+$0xFFFFFF10]  }
0x6f: {  	v2 =	vld [tilespmem:s19+$0xFFFFFF20]  }
0x70: {  	v3 =	vld [tilespmem:s19+$0xFFFFFF30]  }
0x71: {  	v4 =	vld [tilespmem:s19+$0xFFFFFF40]  }
0x72: {  	v5 =	vld [tilespmem:s19+$0xFFFFFF50];
	v0 =	vmul.f32 $1.131370830e+01, v0  }
0x73: {  	v6 =	vld [tilespmem:s19+$0xFFFFFF60];
	v1 =	vmul.f32 $1.131370830e+01, v1  }
0x74: {  	[tilespmem:s19+$0xFFFFFF00] =	vst v0;
	v0 =	vmul.f32 $1.131370830e+01, v2;
	v2 =	vld [tilespmem:s19+$0xFFFFFF70]  }
0x75: {  	[tilespmem:s19+$0xFFFFFF10] =	vst v1;
	v1 =	vmul.f32 $1.131370830e+01, v3;
	v3 =	vld [tilespmem:s19+$0xFFFFFF80]  }
0x76: {  	[tilespmem:s19+$0xFFFFFF20] =	vst v0;
	v0 =	vmul.f32 $1.131370830e+01, v4;
	v4 =	vld [tilespmem:s19+$0xFFFFFF90]  }
0x77: {  	[tilespmem:s19+$0xFFFFFF30] =	vst v1;
	v1 =	vmul.f32 $1.131370830e+01, v5;
	v5 =	vld [tilespmem:s19+$0xFFFFFFA0]  }
0x78: {  	[tilespmem:s19+$0xFFFFFF40] =	vst v0;
	v0 =	vmul.f32 $1.131370830e+01, v6;
	v6 =	vld [tilespmem:s19+$0xFFFFFFB0]  }
0x79: {  	[tilespmem:s19+$0xFFFFFF50] =	vst v1;
	v1 =	vmul.f32 $1.131370830e+01, v2;
	v2 =	vld [tilespmem:s19+$0xFFFFFFC0]  }
0x7a: {  	[tilespmem:s19+$0xFFFFFF60] =	vst v0;
	v0 =	vmul.f32 $1.131370830e+01, v3;
	v3 =	vld [tilespmem:s19+$0xFFFFFFD0]  }
0x7b: {  	[tilespmem:s19+$0xFFFFFF70] =	vst v1;
	v1 =	vmul.f32 $1.131370830e+01, v4;
	v4 =	vld [tilespmem:s19+$0xFFFFFFE0]  }
0x7c: {  	[tilespmem:s19+$0xFFFFFF80] =	vst v0;
	v0 =	vmul.f32 $1.131370830e+01, v5;
	v5 =	vld [tilespmem:s19+$0x0]  }
0x7d: {  	[tilespmem:s19+$0xFFFFFF90] =	vst v1;
	v1 =	vmul.f32 $1.131370830e+01, v6;
	v6 =	vld [tilespmem:s19+$0x10]  }
0x7e: {  	[tilespmem:s19+$0xFFFFFFA0] =	vst v0;
	v0 =	vmul.f32 $1.131370830e+01, v2;
	v2 =	vld [tilespmem:s19+$0x20]  }
0x7f: {  	[tilespmem:s19+$0xFFFFFFB0] =	vst v1;
	v1 =	vmul.f32 $1.131370830e+01, v3;
	v3 =	vld [tilespmem:s19+$0x30]  }
0x80: {  	[tilespmem:s19+$0xFFFFFFC0] =	vst v0;
	v0 =	vmul.f32 $1.131370830e+01, v4;
	v4 =	vld [tilespmem:s19+$0x40]  }
0x81: {  	[tilespmem:s19+$0xFFFFFFD0] =	vst v1;
	v1 =	vmul.f32 $1.131370830e+01, v5;
	v5 =	vld [tilespmem:s19+$0x50]  }
0x82: {  	[tilespmem:s19+$0xFFFFFFE0] =	vst v0;
	v0 =	vmul.f32 $1.131370830e+01, v6;
	v6 =	vld [tilespmem:s19+$0x60]  }
0x83: {  	[tilespmem:s19+$0x0] =	vst v1;
	v1 =	vmul.f32 $1.131370830e+01, v2;
	v2 =	vld [tilespmem:s19+$0x70]  }
0x84: {  	[tilespmem:s19+$0x10] =	vst v0;
	v0 =	vmul.f32 $1.131370830e+01, v3;
	v3 =	vld [tilespmem:s19+$0x80]  }
0x85: {  	[tilespmem:s19+$0x20] =	vst v1;
	v1 =	vmul.f32 $1.131370830e+01, v4;
	v4 =	vld [tilespmem:s19+$0x90]  }
0x86: {  	[tilespmem:s19+$0x30] =	vst v0;
	v0 =	vmul.f32 $1.131370830e+01, v5;
	v5 =	vld [tilespmem:s19+$0xA0]  }
0x87: {  	[tilespmem:s19+$0x40] =	vst v1;
	v1 =	vmul.f32 $1.131370830e+01, v6;
	v6 =	vld [tilespmem:s19+$0xB0]  }
0x88: {  	[tilespmem:s19+$0x50] =	vst v0;
	v2 =	vmul.f32 $1.131370830e+01, v2;
	v0 =	vld [tilespmem:s19+$0xC0]  }
0x89: {  	[tilespmem:s19+$0x60] =	vst v1;
	v3 =	vmul.f32 $1.131370830e+01, v3;
	v1 =	vld [tilespmem:s19+$0xD0]  }
0x8a: {  	[tilespmem:s19+$0x70] =	vst v2;
	v7 =	vmul.f32 $1.131370830e+01, v4;
	v2 =	vld [tilespmem:s19+$0xE0]  }
0x8b: {  	[tilespmem:s19+$0x80] =	vst v3;
	v3 =	vld [tilespmem:s19+$0xF0];
	v5 =	vmul.f32 $1.131370830e+01, v5  }
0x8c: {  	s20 =	simm.s32 $0x0;
	s21 =	simm.s32 $0xE700;
	v4 =	vld [tilespmem:s19+$0xFFFFFFF0];
	[tilespmem:s19+$0x90] =	vst v7;
	v6 =	vmul.f32 $1.131370830e+01, v6  }
.LBB2_5:
0x8d: {  	v7 =	vld [tilespmem:s21+$0xFFFFFF00];
	[tilespmem:s19+$0xA0] =	vst v5;
	v0 =	vmul.f32 $1.131370830e+01, v0  }
0x8e: {  	v5 =	vld [tilespmem:s21+$0xFFFFFF10];
	[tilespmem:s19+$0xB0] =	vst v6;
	v1 =	vmul.f32 $1.131370830e+01, v1  }
0x8f: {  	v6 =	vld [tilespmem:s21+$0xFFFFFF20];
	[tilespmem:s19+$0xC0] =	vst v0;
	v0 =	vmul.f32 $1.131370830e+01, v2  }
0x90: {  	v2 =	vld [tilespmem:s21+$0xFFFFFF30];
	[tilespmem:s19+$0xD0] =	vst v1;
	v1 =	vmul.f32 $1.131370830e+01, v3  }
0x91: {  	v3 =	vld [tilespmem:s21+$0xFFFFFF40];
	v4 =	vmul.f32 $1.131370830e+01, v4;
	[tilespmem:s19+$0xE0] =	vst v0  }
0x92: {  	v0 =	vmul.f32 $1.131370830e+01, v7;
	v7 =	vld [tilespmem:s21+$0xFFFFFF50];
	[tilespmem:s19+$0xF0] =	vst v1  }
0x93: {  	v1 =	vmul.f32 $1.131370830e+01, v5;
	v5 =	vld [tilespmem:s21+$0xFFFFFF60];
	[tilespmem:s19+$0xFFFFFFF0] =	vst v4;
	s19 =	smov.u32 s21  }
0x94: {  	[tilespmem:s21+$0xFFFFFF00] =	vst v0;
	v0 =	vmul.f32 $1.131370830e+01, v6;
	v4 =	vld [tilespmem:s21+$0xFFFFFF70]  }
0x95: {  	[tilespmem:s21+$0xFFFFFF10] =	vst v1;
	v1 =	vmul.f32 $1.131370830e+01, v2;
	v2 =	vld [tilespmem:s21+$0xFFFFFF80]  }
0x96: {  	[tilespmem:s21+$0xFFFFFF20] =	vst v0;
	v0 =	vmul.f32 $1.131370830e+01, v3;
	v3 =	vld [tilespmem:s21+$0xFFFFFF90]  }
0x97: {  	[tilespmem:s21+$0xFFFFFF30] =	vst v1;
	v1 =	vmul.f32 $1.131370830e+01, v7;
	v6 =	vld [tilespmem:s21+$0xFFFFFFA0]  }
0x98: {  	[tilespmem:s21+$0xFFFFFF40] =	vst v0;
	v0 =	vmul.f32 $1.131370830e+01, v5;
	v5 =	vld [tilespmem:s21+$0xFFFFFFB0]  }
0x99: {  	[tilespmem:s21+$0xFFFFFF50] =	vst v1;
	v1 =	vmul.f32 $1.131370830e+01, v4;
	v4 =	vld [tilespmem:s21+$0xFFFFFFC0]  }
0x9a: {  	[tilespmem:s21+$0xFFFFFF60] =	vst v0;
	v0 =	vmul.f32 $1.131370830e+01, v2;
	v2 =	vld [tilespmem:s21+$0xFFFFFFD0]  }
0x9b: {  	[tilespmem:s21+$0xFFFFFF70] =	vst v1;
	v1 =	vmul.f32 $1.131370830e+01, v3;
	v3 =	vld [tilespmem:s21+$0xFFFFFFE0]  }
0x9c: {  	[tilespmem:s21+$0xFFFFFF80] =	vst v0;
	v0 =	vmul.f32 $1.131370830e+01, v6;
	v6 =	vld [tilespmem:s21+$0x0]  }
0x9d: {  	[tilespmem:s21+$0xFFFFFF90] =	vst v1;
	v1 =	vmul.f32 $1.131370830e+01, v5;
	v5 =	vld [tilespmem:s21+$0x10]  }
0x9e: {  	[tilespmem:s21+$0xFFFFFFA0] =	vst v0;
	v0 =	vmul.f32 $1.131370830e+01, v4;
	v4 =	vld [tilespmem:s21+$0x20]  }
0x9f: {  	[tilespmem:s21+$0xFFFFFFB0] =	vst v1;
	v1 =	vmul.f32 $1.131370830e+01, v2;
	v2 =	vld [tilespmem:s21+$0x30]  }
0xa0: {  	[tilespmem:s21+$0xFFFFFFC0] =	vst v0;
	v0 =	vmul.f32 $1.131370830e+01, v3;
	v3 =	vld [tilespmem:s21+$0x40]  }
0xa1: {  	[tilespmem:s21+$0xFFFFFFD0] =	vst v1;
	v1 =	vmul.f32 $1.131370830e+01, v6;
	v6 =	vld [tilespmem:s21+$0x50]  }
0xa2: {  	[tilespmem:s21+$0xFFFFFFE0] =	vst v0;
	v0 =	vmul.f32 $1.131370830e+01, v5;
	v5 =	vld [tilespmem:s21+$0x60]  }
0xa3: {  	[tilespmem:s21+$0x0] =	vst v1;
	v1 =	vmul.f32 $1.131370830e+01, v4;
	v4 =	vld [tilespmem:s21+$0x70]  }
0xa4: {  	[tilespmem:s21+$0x10] =	vst v0;
	v0 =	vmul.f32 $1.131370830e+01, v2;
	v2 =	vld [tilespmem:s21+$0x80]  }
0xa5: {  	[tilespmem:s21+$0x20] =	vst v1;
	v1 =	vmul.f32 $1.131370830e+01, v3;
	v3 =	vld [tilespmem:s21+$0x90]  }
0xa6: {  	s20 =	sadd.s32 $0x4, s20;
	[tilespmem:s21+$0x30] =	vst v0;
	v0 =	vmul.f32 $1.131370830e+01, v6;
	v6 =	vld [tilespmem:s21+$0xA0]  }
0xa7: {  	p0 =	slt.u32 s20, $0xFC;
	[tilespmem:s21+$0x40] =	vst v1;
	v1 =	vmul.f32 $1.131370830e+01, v5;
	v7 =	vld [tilespmem:s21+$0xB0]  }
.Ltmp1:
0xa8: {  	[tilespmem:s21+$0x50] =	vst v0;
	v4 =	vmul.f32 $1.131370830e+01, v4;
	v0 =	vld [tilespmem:s21+$0xC0];
	(pc) =	sbr.rel @p0 .LBB2_5-.Ltmp1, $4  }
0xa9: {  	[tilespmem:s21+$0x60] =	vst v1;
	v5 =	vmul.f32 $1.131370830e+01, v2;
	v1 =	vld [tilespmem:s21+$0xD0]  }
0xaa: {  	[tilespmem:s21+$0x70] =	vst v4;
	v8 =	vmul.f32 $1.131370830e+01, v3;
	v2 =	vld [tilespmem:s21+$0xE0]  }
0xab: {  	[tilespmem:s21+$0x80] =	vst v5;
	v5 =	vmul.f32 $1.131370830e+01, v6;
	v3 =	vld [tilespmem:s21+$0xF0]  }
0xac: {  	s21 =	sadd.s32 $0x200, s21;
	v4 =	vld [tilespmem:s19+$0xFFFFFFF0];
	[tilespmem:s19+$0x90] =	vst v8;
	v6 =	vmul.f32 $1.131370830e+01, v7  }
0xad: {  	[tilespmem:s19+$0xA0] =	vst v5;
	v0 =	vmul.f32 $1.131370830e+01, v0  }
0xae: {  	[tilespmem:s19+$0xB0] =	vst v6;
	v1 =	vmul.f32 $1.131370830e+01, v1  }
0xaf: {  	[tilespmem:s19+$0xC0] =	vst v0;
	v61 =	vmul.f32 $1.131370830e+01, v2  }
0xb0: {  	s18 =	sshll.u32 s18, $0xF;
	[tilespmem:s19+$0xD0] =	vst v1;
	v62 =	vmul.f32 $1.131370830e+01, v3  }
0xb1: {  	s17 =	sadd.s32 $0x1, s17;
	s18 =	sadd.s32 s6, s18;
	v63 =	vmul.f32 $1.131370830e+01, v4;
	[tilespmem:s19+$0xE0] =	vst v61  }
0xb2: {  	p0 =	sne.s32 s17, $0x32;
	s18 =	sshrl.u32 s18, $0x3;
	[tilespmem:s19+$0xF0] =	vst v62  }
.Ltmp2:
0xb3: {  	s18 =	sadd.s32 s3, s18;
	[tilespmem:s19+$0xFFFFFFF0] =	vst v63;
	(pc) =	sbr.rel @p0 .LBB2_2-.Ltmp2, $4  }
0xb4: {  	[hbm4b:s18+s4] =	stream.linear.scatter [tilespmem:s12], [sflag:$0x3], $0x8000, $0x38;
	[tilespmem:$0x16400] =	vst v63  }
0xb5: {  	_ =	swait.ge [sflag:s8], $0x8000  }
0xb6: {  	[sflag:s8] =	ssyncset.done $0x0  }
0xb7: {  	[sflag:s8] =	ssyncadd.s32 $0xFFFF8000  }
0xb8: {  	s16 =	sadd.s32 $0x1, s16  }
0xb9: {  	p0 =	sne.s32 s16, s7  }
.Ltmp3:
0xba: {  	_ = 	snop;
	(pc) =	sbr.rel @p0 .LBB2_1-.Ltmp3, $1  }
0xbb: {  	_ =	sdelay $0x3  }
0xbc: {  	_ =	sfence.sel $0x180000  }
0xbd: {  	[bflag:$0x0] =	sbarrier.arrive $0xFFFF  }
0xbe: {  	p0 =	sne.s32 s1, $0x0;
	_ =	strace $0x90000047  }
0xbf: {  	s0 =	sadd.s32 @!p0 $0x100000, s0;
	[bflag:$0x2] =	sbarrier.arrive $0xFFFF  }
0xc0: {  	[sflag:s0] =	ssyncadd.tile.s32 @!p0 $0x1;
	_ =	shalt  }
.Lfunc_end2:
_tile_overlayer_lowered:
.L_overlay_start_2:
0xc1: {  	(tag) =	ssettag $0x2  }
0xc2: {  	s0 =	rddreg [dreg:$0x0];
	s2 =	stileid.u32  }
0xc3: {  	s1 =	rddreg [dreg:$0x1];
	p0 =	sne.s32 s2, $0x0  }
0xc4: {  	s3 =	rddreg [dreg:$0x2];
	[bflag:$0x3] =	sbarrier.arrive $0xFFFF;
	s2 =	simm.s32 @!p0 $0x1C03  }
0xc5: {  	[timem:s3], [sflag:s2] =	dma.local @!p0 [hbm:s0], s1  }
0xc6: {  	s0 =	simm.s32 @!p0 $0x3  }
0xc7: {  	_ =	swait.ge @!p0 [sflag:s0], s1  }
0xc8: {  	s1 =	ssub.s32 @!p0 $0x0, s1;
	[sflag:s0] =	ssyncset.done @!p0 $0x0  }
0xc9: {  	[sflag:s0] =	ssyncadd.s32 @!p0 s1  }
0xca: {  	[bflag:$0x3] =	sbarrier.arrive $0xFFFF  }
0xcb: {  	_ =	shalt  }

</sc_bundles>
